<compile_context>
chip_gen: v7x
topology: tpu7x:2x2x1
jax: 0.10.2.dev20260603
libtpu: 0.0.44.dev20260713+nightly
codegen_flags: <defaults>
</compile_context>

<pallas_src>
import functools

import jax
import jax.numpy as jnp
from jax import lax
from jax.experimental import pallas as pl
from jax.experimental.pallas import tpu as pltpu
from jax.experimental.pallas import tpu_sc as plsc

N = 10000
D = 128
H = 8
C = 16
L = 16
NC = 2
NS = 16
NW = NC * NS
CH = 128
NACC = 10112
IROWS = NACC // NS

_SC_MESH = plsc.VectorSubcoreMesh(core_axis_name="c", subcore_axis_name="s")



def _dense1_body(x_ref, w_ref, a_ref, h_ref, s_ref, d_ref, e_ref):
    hb = jnp.dot(x_ref[...], w_ref[...], preferred_element_type=jnp.float32)
    p = jnp.dot(hb, a_ref[...], preferred_element_type=jnp.float32)
    s16 = p[:, :16]
    d16 = p[:, 16:32]
    a = jnp.minimum(s16 + d16, 60.0)
    a = jnp.maximum(a, 0.2 * a)
    h_ref[...] = hb
    s_ref[...] = s16
    d_ref[...] = d16
    e_ref[...] = jnp.exp(a)


def _dense2_body(p0_ref, p1_ref, e_ref, rd_ref, sw_ref):
    dt = p0_ref[...] + p1_ref[...] + e_ref[...]
    rd = 1.0 / (dt + 1e-16)
    lane = lax.broadcasted_iota(jnp.int32, rd.shape, 1)
    rd = jnp.where(lane < H, rd, 0.0)
    rd_ref[...] = rd
    sw_ref[...] = e_ref[...] * rd


def _dense3_body(p0_ref, p1_ref, h_ref, sw_ref, ex8_ref, b_ref, o_ref):
    swl = jnp.dot(sw_ref[...], ex8_ref[...], preferred_element_type=jnp.float32)
    t = p0_ref[...] + p1_ref[...] + h_ref[...] * swl + b_ref[...]
    o_ref[...] = jnp.where(t > 0.0, t, jnp.exp(jnp.minimum(t, 0.0)) - 1.0)



def _sc_pass1_body(src_hbm, dst_hbm, s16_hbm, d16_hbm, z16_hbm,
                   ex_hbm, den_hbm,
                   sidx, didx, gs, gd, exb, sem_s, sem_d, den_s):
    c = lax.axis_index("c")
    s = lax.axis_index("s")
    w = s * NC + c
    ept = src_hbm.shape[0] // NW
    nch = ept // CH

    pltpu.sync_copy(z16_hbm.at[pl.ds(s * IROWS, IROWS), :],
                    den_s.at[pl.ds(s * IROWS, IROWS), :])
    plsc.subcore_barrier()

    def chunk(k, carry):
        base = w * ept + k * CH
        pltpu.sync_copy(src_hbm.at[pl.ds(base, CH)], sidx)
        pltpu.sync_copy(dst_hbm.at[pl.ds(base, CH)], didx)
        cps = pltpu.async_copy(s16_hbm.at[sidx], gs, sem_s)
        cpd = pltpu.async_copy(d16_hbm.at[didx], gd, sem_d)
        cps.wait()
        cpd.wait()

        def edge(e, carry2):
            a = gs[e, :] + gd[e, :]
            a = jnp.minimum(a, 60.0)
            a = jnp.maximum(a, 0.2 * a)
            exb[e, :] = jnp.exp(a)
            return carry2

        lax.fori_loop(0, CH, edge, 0)
        pltpu.sync_copy(exb, ex_hbm.at[pl.ds(base, CH), :])
        pltpu.sync_copy(exb, den_s.at[didx], add=True)
        return carry

    lax.fori_loop(0, nch, chunk, 0)
    plsc.subcore_barrier()
    pltpu.sync_copy(den_s.at[pl.ds(s * IROWS, IROWS), :],
                    den_hbm.at[c, pl.ds(s * IROWS, IROWS), :])



def _sc_pass2_body(src_hbm, dst_hbm, h_hbm, rd_hbm, ex_hbm, z128_hbm,
                   out_hbm,
                   sidx, didx, hrows, rdr, exr, msg, sem_h, sem_r, out_s):
    c = lax.axis_index("c")
    s = lax.axis_index("s")
    w = s * NC + c
    ept = src_hbm.shape[0] // NW
    nch = ept // CH

    pltpu.sync_copy(z128_hbm.at[pl.ds(s * IROWS, IROWS), :],
                    out_s.at[pl.ds(s * IROWS, IROWS), :])
    plsc.subcore_barrier()

    def chunk(k, carry):
        base = w * ept + k * CH
        pltpu.sync_copy(src_hbm.at[pl.ds(base, CH)], sidx)
        pltpu.sync_copy(dst_hbm.at[pl.ds(base, CH)], didx)
        cph = pltpu.async_copy(h_hbm.at[sidx], hrows, sem_h)
        cpr = pltpu.async_copy(rd_hbm.at[didx], rdr, sem_r)
        pltpu.sync_copy(ex_hbm.at[pl.ds(base, CH), :], exr)
        cph.wait()
        cpr.wait()

        def edge(e, carry2):
            wv = rdr[e, :] * exr[e, :]
            for h in range(H):
                sp = jnp.broadcast_to(wv[h], (L,))
                msg[e, pl.ds(h * L, L)] = hrows[e, pl.ds(h * L, L)] * sp
            return carry2

        lax.fori_loop(0, CH, edge, 0)
        pltpu.sync_copy(msg, out_s.at[didx], add=True)
        return carry

    lax.fori_loop(0, nch, chunk, 0)
    plsc.subcore_barrier()
    pltpu.sync_copy(out_s.at[pl.ds(s * IROWS, IROWS), :],
                    out_hbm.at[c, pl.ds(s * IROWS, IROWS), :])



def _expand_att(att):
    eye = jnp.eye(H, dtype=att.dtype)
    m = (att[:, :, None] * eye[:, None, :]).reshape(D, H)
    return jnp.pad(m, ((0, 0), (0, 16 - H)))


@jax.jit
def kernel(x, edge_index, W, att_src, att_dst, bias):
    n = x.shape[0]
    e = edge_index.shape[1]
    epad = ((e + NW * CH - 1) // (NW * CH)) * (NW * CH)

    a_all = jnp.concatenate([_expand_att(att_src), _expand_att(att_dst)], axis=1)

    blk = 400
    grid = n // blk
    h, s16, d16, e16 = pl.pallas_call(
        _dense1_body,
        grid=(grid,),
        in_specs=[
            pl.BlockSpec((blk, D), lambda i: (i, 0)),
            pl.BlockSpec((D, D), lambda i: (0, 0)),
            pl.BlockSpec((D, 32), lambda i: (0, 0)),
        ],
        out_specs=[
            pl.BlockSpec((blk, D), lambda i: (i, 0)),
            pl.BlockSpec((blk, 16), lambda i: (i, 0)),
            pl.BlockSpec((blk, 16), lambda i: (i, 0)),
            pl.BlockSpec((blk, 16), lambda i: (i, 0)),
        ],
        out_shape=[
            jax.ShapeDtypeStruct((n, D), jnp.float32),
            jax.ShapeDtypeStruct((n, 16), jnp.float32),
            jax.ShapeDtypeStruct((n, 16), jnp.float32),
            jax.ShapeDtypeStruct((n, 16), jnp.float32),
        ],
    )(x, W, a_all)

    pad = epad - e
    srcp = jnp.concatenate([edge_index[0], jnp.full((pad,), n, jnp.int32)])
    dstp = jnp.concatenate([edge_index[1], jnp.full((pad,), n, jnp.int32)])
    zrow16 = jnp.zeros((1, 16), jnp.float32)
    s16p = jnp.concatenate([s16, zrow16])
    d16p = jnp.concatenate([d16, zrow16])
    z16 = jnp.zeros((NACC, 16), jnp.float32)

    pass1 = functools.partial(
        pl.kernel,
        out_type=[
            jax.ShapeDtypeStruct((epad, 16), jnp.float32),
            jax.ShapeDtypeStruct((NC, NACC, 16), jnp.float32),
        ],
        mesh=_SC_MESH,
        scratch_types=[
            pltpu.VMEM((CH,), jnp.int32),
            pltpu.VMEM((CH,), jnp.int32),
            pltpu.VMEM((CH, 16), jnp.float32),
            pltpu.VMEM((CH, 16), jnp.float32),
            pltpu.VMEM((CH, 16), jnp.float32),
            pltpu.SemaphoreType.DMA,
            pltpu.SemaphoreType.DMA,
            pltpu.VMEM_SHARED((NACC, 16), jnp.float32),
        ],
        compiler_params=pltpu.CompilerParams(use_tc_tiling_on_sc=False),
    )(_sc_pass1_body)
    exh, den = pass1(srcp, dstp, s16p, d16p, z16)
    den = den[:, :n, :]

    rd16, selfw = pl.pallas_call(
        _dense2_body,
        grid=(grid,),
        in_specs=[
            pl.BlockSpec((blk, 16), lambda i: (i, 0)),
            pl.BlockSpec((blk, 16), lambda i: (i, 0)),
            pl.BlockSpec((blk, 16), lambda i: (i, 0)),
        ],
        out_specs=[
            pl.BlockSpec((blk, 16), lambda i: (i, 0)),
            pl.BlockSpec((blk, 16), lambda i: (i, 0)),
        ],
        out_shape=[
            jax.ShapeDtypeStruct((n, 16), jnp.float32),
            jax.ShapeDtypeStruct((n, 16), jnp.float32),
        ],
    )(den[0], den[1], e16)

    hp = jnp.concatenate([h, jnp.zeros((1, D), jnp.float32)])
    rdp = jnp.concatenate([rd16, zrow16])
    z128 = jnp.zeros((NACC, D), jnp.float32)

    pass2 = functools.partial(
        pl.kernel,
        out_type=[jax.ShapeDtypeStruct((NC, NACC, D), jnp.float32)],
        mesh=_SC_MESH,
        scratch_types=[
            pltpu.VMEM((CH,), jnp.int32),
            pltpu.VMEM((CH,), jnp.int32),
            pltpu.VMEM((CH, D), jnp.float32),
            pltpu.VMEM((CH, 16), jnp.float32),
            pltpu.VMEM((CH, 16), jnp.float32),
            pltpu.VMEM((CH, D), jnp.float32),
            pltpu.SemaphoreType.DMA,
            pltpu.SemaphoreType.DMA,
            pltpu.VMEM_SHARED((NACC, D), jnp.float32),
        ],
        compiler_params=pltpu.CompilerParams(use_tc_tiling_on_sc=False),
    )(_sc_pass2_body)
    (outp,) = pass2(srcp, dstp, hp, rdp, exh, z128)
    outp = outp[:, :n, :]

    ex8 = (jnp.arange(16)[:, None] == (jnp.arange(D)[None, :] // C)).astype(jnp.float32)
    out = pl.pallas_call(
        _dense3_body,
        grid=(grid,),
        in_specs=[
            pl.BlockSpec((blk, D), lambda i: (i, 0)),
            pl.BlockSpec((blk, D), lambda i: (i, 0)),
            pl.BlockSpec((blk, D), lambda i: (i, 0)),
            pl.BlockSpec((blk, 16), lambda i: (i, 0)),
            pl.BlockSpec((16, D), lambda i: (0, 0)),
            pl.BlockSpec((1, D), lambda i: (0, 0)),
        ],
        out_specs=pl.BlockSpec((blk, D), lambda i: (i, 0)),
        out_shape=jax.ShapeDtypeStruct((n, D), jnp.float32),
    )(outp[0], outp[1], h, selfw, ex8, bias.reshape(1, D))
    return out

# --- scband reference (transcript-rebuilt; emitter-appended) ---
"""Pipeline reference for scband-gatlayer-33389075759328 (READ-ONLY COPY).

The authoritative reference and input builder live on the scoring server;
editing this copy changes nothing except your own understanding.
"""

import jax, jax.numpy as jnp
import numpy as np

N = 10000
E = 320000
D = 128
H = 8
C = 16  # out_channels per head = output_dim // heads = 128 // 8


def setup_inputs(seed: int = 0) -> dict:
    key = jax.random.key(seed)
    k1, k2, k3, k4, k5 = jax.random.split(key, 5)
    x = jax.random.normal(k1, (N, D), dtype=jnp.float32)
    edge_index = jax.random.randint(k2, (2, E), 0, N, dtype=jnp.int32)
    # learned params of GATConv(in=128, out=16, heads=8)
    W = jax.random.normal(k3, (D, H * C), dtype=jnp.float32) * 0.05
    att_src = jax.random.normal(k4, (H, C), dtype=jnp.float32) * 0.05
    att_dst = jax.random.normal(k5, (H, C), dtype=jnp.float32) * 0.05
    bias = jnp.zeros((H * C,), dtype=jnp.float32)
    return {"x": x, "edge_index": edge_index, "W": W, "att_src": att_src, "att_dst": att_dst, "bias": bias}


def reference(x, edge_index, W, att_src, att_dst, bias):
    n = x.shape[0]
    h = (x @ W).reshape(n, H, C)  # lin projection, [N, H, C]
    # PyG GATConv default add_self_loops=True
    loop = jnp.arange(n, dtype=edge_index.dtype)
    src = jnp.concatenate([edge_index[0], loop])
    dst = jnp.concatenate([edge_index[1], loop])
    # per-node attention logits
    a_src = jnp.sum(h * att_src[None, :, :], axis=-1)  # [N, H]
    a_dst = jnp.sum(h * att_dst[None, :, :], axis=-1)  # [N, H]
    alpha = a_src[src] + a_dst[dst]                     # [Etot, H] gather
    alpha = jax.nn.leaky_relu(alpha, negative_slope=0.2)
    # softmax over incoming edges grouped by dst (segment softmax)
    amax = jax.ops.segment_max(alpha, dst, num_segments=n)
    amax = jnp.where(jnp.isfinite(amax), amax, 0.0)
    ex = jnp.exp(alpha - amax[dst])
    denom = jax.ops.segment_sum(ex, dst, num_segments=n)
    attn = ex / (denom[dst] + 1e-16)
    # weighted message aggregation: gather + scatter-add
    msg = h[src] * attn[:, :, None]                     # [Etot, H, C]
    out = jax.ops.segment_sum(msg, dst, num_segments=n) # [N, H, C]
    out = out.reshape(n, H * C) + bias
    # module applies ELU to updated node features
    return jax.nn.elu(out)

if __name__ == "__main__":
    import jax
    _d = setup_inputs()
    print(jax.jit(kernel)(*tuple(_d.values())))

</pallas_src>

<mosaic_0001>
#map = affine_map<(d0, d1) -> (0)>
#map1 = affine_map<(d0, d1) -> (0, 0)>
#map2 = affine_map<(d0, d1) -> (0, 0, 0)>
module attributes {stable_mosaic.version = 14 : i64} {
  func.func @_sc_pass1_body(%arg0: i32, %arg1: i32, %arg2: memref<323584xi32, #tpu.memory_space<hbm>>, %arg3: memref<323584xi32, #tpu.memory_space<hbm>>, %arg4: memref<10001x16xf32, #tpu.memory_space<hbm>>, %arg5: memref<10001x16xf32, #tpu.memory_space<hbm>>, %arg6: memref<10112x16xf32, #tpu.memory_space<hbm>>, %arg7: memref<323584x16xf32, #tpu.memory_space<hbm>>, %arg8: memref<2x10112x16xf32, #tpu.memory_space<hbm>>, %arg9: memref<128xi32, #tpu.memory_space<vmem>>, %arg10: memref<128xi32, #tpu.memory_space<vmem>>, %arg11: memref<128x16xf32, #tpu.memory_space<vmem>>, %arg12: memref<128x16xf32, #tpu.memory_space<vmem>>, %arg13: memref<128x16xf32, #tpu.memory_space<vmem>>, %arg14: memref<!tpu.dma_semaphore, #tpu.memory_space<semaphore_mem>>, %arg15: memref<!tpu.dma_semaphore, #tpu.memory_space<semaphore_mem>>, %arg16: memref<10112x16xf32, #tpu.memory_space<vmem_shared>>) attributes {dimension_semantics = [#tpu.dimension_semantics<core_parallel>, #tpu.dimension_semantics<subcore_parallel>], iteration_bounds = array<i64: 2, 16>, scalar_prefetch = 0 : i64, scratch_operands = 8 : i64, tpu.core_type = #tpu.core_type<sc_vector_subcore>, window_params = [{transform_indices = #map}, {transform_indices = #map}, {transform_indices = #map1}, {transform_indices = #map1}, {transform_indices = #map1}, {transform_indices = #map1}, {transform_indices = #map2}]} {
    %mul3A = arith.constant 2 : i32
    %mul3A_0 = arith.muli %arg1, %mul3A : i32
    %add3A = arith.addi %mul3A_0, %arg0 : i32
    %mul3A_1 = arith.constant 632 : i32
    %mul3A_2 = arith.muli %arg1, %mul3A_1 : i32
    %mul3A_3 = arith.constant 632 : i32
    %mul3A_4 = arith.muli %arg1, %mul3A_3 : i32
    "tpu.region"() ({
      %run_scoped3A = tpu.sem_alloc : memref<!tpu.dma_semaphore, #tpu.memory_space<semaphore_mem>>
      %dma_start3A = arith.constant 0 : i32
      %dma_start3A_15 = tpu.memref_slice %arg16[%mul3A_4, %dma_start3A] : memref<10112x16xf32, #tpu.memory_space<vmem_shared>> -> memref<632x16xf32, #tpu.memory_space<vmem_shared>>
      %dma_start3A_16 = arith.constant 0 : i32
      %dma_start3A_17 = tpu.memref_slice %arg6[%mul3A_2, %dma_start3A_16] : memref<10112x16xf32, #tpu.memory_space<hbm>> -> memref<632x16xf32, #tpu.memory_space<hbm>>
      tpu.enqueue_dma source(%dma_start3A_17 : memref<632x16xf32, #tpu.memory_space<hbm>>) target(%dma_start3A_15 : memref<632x16xf32, #tpu.memory_space<vmem_shared>>) target_semaphore(%run_scoped3A : memref<!tpu.dma_semaphore, #tpu.memory_space<semaphore_mem>>)
      %dma_wait3A = arith.constant 0 : i32
      %dma_wait3A_18 = tpu.memref_slice %arg16[%mul3A_4, %dma_wait3A] : memref<10112x16xf32, #tpu.memory_space<vmem_shared>> -> memref<632x16xf32, #tpu.memory_space<vmem_shared>>
      %dma_wait3A_19 = arith.constant 0 : i32
      %dma_wait3A_20 = tpu.memref_slice %arg6[%mul3A_2, %dma_wait3A_19] : memref<10112x16xf32, #tpu.memory_space<hbm>> -> memref<632x16xf32, #tpu.memory_space<hbm>>
      tpu.wait_dma2 semaphore(%run_scoped3A : memref<!tpu.dma_semaphore, #tpu.memory_space<semaphore_mem>>) src(%dma_wait3A_20 : memref<632x16xf32, #tpu.memory_space<hbm>>) dst(%dma_wait3A_18 : memref<632x16xf32, #tpu.memory_space<vmem_shared>>)
      tpu.yield
    }) : () -> ()
    %barrier3A = arith.constant 0 : index
    tpu.barrier barrier_id(%barrier3A)
    %scan3A = arith.constant 0 : i32
    %scan3A_5 = arith.constant 0 : i32
    %scan3A_6 = arith.constant 79 : i32
    %scan3A_7 = arith.addi %scan3A_5, %scan3A_6 : i32
    %scan3A_8 = arith.constant 1 : i32
    scf.for %scan3A_15 = %scan3A_5 to %scan3A_7 step %scan3A_8  : i32 {
      %mul3A_16 = arith.constant 10112 : i32
      %mul3A_17 = arith.muli %add3A, %mul3A_16 : i32
      %mul3A_18 = arith.constant 128 : i32
      %mul3A_19 = arith.muli %scan3A_15, %mul3A_18 : i32
      %add3A_20 = arith.addi %mul3A_17, %mul3A_19 : i32
      "tpu.region"() ({
        %run_scoped3A = tpu.sem_alloc : memref<!tpu.dma_semaphore, #tpu.memory_space<semaphore_mem>>
        %dma_start3A_37 = tpu.memref_slice %arg2[%add3A_20] : memref<323584xi32, #tpu.memory_space<hbm>> -> memref<128xi32, #tpu.memory_space<hbm>>
        %dma_start3A_38 = tpu.memref_slice %arg2[%add3A_20] : memref<323584xi32, #tpu.memory_space<hbm>> -> memref<128xi32, #tpu.memory_space<hbm>>
        tpu.enqueue_dma source(%dma_start3A_38 : memref<128xi32, #tpu.memory_space<hbm>>) target(%arg9 : memref<128xi32, #tpu.memory_space<vmem>>) target_semaphore(%run_scoped3A : memref<!tpu.dma_semaphore, #tpu.memory_space<semaphore_mem>>)
        %dma_wait3A_39 = tpu.memref_slice %arg2[%add3A_20] : memref<323584xi32, #tpu.memory_space<hbm>> -> memref<128xi32, #tpu.memory_space<hbm>>
        %dma_wait3A_40 = tpu.memref_slice %arg2[%add3A_20] : memref<323584xi32, #tpu.memory_space<hbm>> -> memref<128xi32, #tpu.memory_space<hbm>>
        tpu.wait_dma2 semaphore(%run_scoped3A : memref<!tpu.dma_semaphore, #tpu.memory_space<semaphore_mem>>) src(%dma_wait3A_40 : memref<128xi32, #tpu.memory_space<hbm>>) dst(%arg9 : memref<128xi32, #tpu.memory_space<vmem>>)
        tpu.yield
      }) : () -> ()
      "tpu.region"() ({
        %run_scoped3A = tpu.sem_alloc : memref<!tpu.dma_semaphore, #tpu.memory_space<semaphore_mem>>
        %dma_start3A_37 = tpu.memref_slice %arg3[%add3A_20] : memref<323584xi32, #tpu.memory_space<hbm>> -> memref<128xi32, #tpu.memory_space<hbm>>
        %dma_start3A_38 = tpu.memref_slice %arg3[%add3A_20] : memref<323584xi32, #tpu.memory_space<hbm>> -> memref<128xi32, #tpu.memory_space<hbm>>
        tpu.enqueue_dma source(%dma_start3A_38 : memref<128xi32, #tpu.memory_space<hbm>>) target(%arg10 : memref<128xi32, #tpu.memory_space<vmem>>) target_semaphore(%run_scoped3A : memref<!tpu.dma_semaphore, #tpu.memory_space<semaphore_mem>>)
        %dma_wait3A_39 = tpu.memref_slice %arg3[%add3A_20] : memref<323584xi32, #tpu.memory_space<hbm>> -> memref<128xi32, #tpu.memory_space<hbm>>
        %dma_wait3A_40 = tpu.memref_slice %arg3[%add3A_20] : memref<323584xi32, #tpu.memory_space<hbm>> -> memref<128xi32, #tpu.memory_space<hbm>>
        tpu.wait_dma2 semaphore(%run_scoped3A : memref<!tpu.dma_semaphore, #tpu.memory_space<semaphore_mem>>) src(%dma_wait3A_40 : memref<128xi32, #tpu.memory_space<hbm>>) dst(%arg10 : memref<128xi32, #tpu.memory_space<vmem>>)
        tpu.yield
      }) : () -> ()
      %dma_start3A = arith.constant 0 : i32
      %dma_start3A_21 = arith.constant 0 : i32
      %dma_start3A_22 = tpu.memref_slice %arg4[%dma_start3A, %dma_start3A_21] : memref<10001x16xf32, #tpu.memory_space<hbm>> -> memref<10001x16xf32, #tpu.memory_space<hbm>>
      tpu.enqueue_indirect_dma source(%dma_start3A_22 : memref<10001x16xf32, #tpu.memory_space<hbm>>) target(%arg11 : memref<128x16xf32, #tpu.memory_space<vmem>>) offsets(%arg9 : memref<128xi32, #tpu.memory_space<vmem>>) semaphore(%arg14 : memref<!tpu.dma_semaphore, #tpu.memory_space<semaphore_mem>>)
      %dma_start3A_23 = arith.constant 0 : i32
      %dma_start3A_24 = arith.constant 0 : i32
      %dma_start3A_25 = tpu.memref_slice %arg5[%dma_start3A_23, %dma_start3A_24] : memref<10001x16xf32, #tpu.memory_space<hbm>> -> memref<10001x16xf32, #tpu.memory_space<hbm>>
      tpu.enqueue_indirect_dma source(%dma_start3A_25 : memref<10001x16xf32, #tpu.memory_space<hbm>>) target(%arg12 : memref<128x16xf32, #tpu.memory_space<vmem>>) offsets(%arg10 : memref<128xi32, #tpu.memory_space<vmem>>) semaphore(%arg15 : memref<!tpu.dma_semaphore, #tpu.memory_space<semaphore_mem>>)
      %dma_wait3A = arith.constant 0 : i32
      %dma_wait3A_26 = arith.constant 0 : i32
      %dma_wait3A_27 = tpu.memref_slice %arg4[%dma_wait3A, %dma_wait3A_26] : memref<10001x16xf32, #tpu.memory_space<hbm>> -> memref<10001x16xf32, #tpu.memory_space<hbm>>
      tpu.wait_indirect_dma semaphore(%arg14 : memref<!tpu.dma_semaphore, #tpu.memory_space<semaphore_mem>>) src(%dma_wait3A_27 : memref<10001x16xf32, #tpu.memory_space<hbm>>) dst(%arg11 : memref<128x16xf32, #tpu.memory_space<vmem>>)
      %dma_wait3A_28 = arith.constant 0 : i32
      %dma_wait3A_29 = arith.constant 0 : i32
      %dma_wait3A_30 = tpu.memref_slice %arg5[%dma_wait3A_28, %dma_wait3A_29] : memref<10001x16xf32, #tpu.memory_space<hbm>> -> memref<10001x16xf32, #tpu.memory_space<hbm>>
      tpu.wait_indirect_dma semaphore(%arg15 : memref<!tpu.dma_semaphore, #tpu.memory_space<semaphore_mem>>) src(%dma_wait3A_30 : memref<10001x16xf32, #tpu.memory_space<hbm>>) dst(%arg12 : memref<128x16xf32, #tpu.memory_space<vmem>>)
      %scan3A_31 = arith.constant 0 : i32
      %scan3A_32 = arith.constant 0 : i32
      %scan3A_33 = arith.constant 128 : i32
      %scan3A_34 = arith.addi %scan3A_32, %scan3A_33 : i32
      %scan3A_35 = arith.constant 1 : i32
      scf.for %scan3A_37 = %scan3A_32 to %scan3A_34 step %scan3A_35  : i32 {
        %get3A = arith.index_cast %scan3A_37 : i32 to index
        %get3A_38 = arith.constant 0 : index
        %get3A_39 = tpu.vector_load %arg11[%get3A, %get3A_38] {strides = array<i32>} : memref<128x16xf32, #tpu.memory_space<vmem>>, vector<1x16xf32>,
        %get3A_40 = vector.shape_cast %get3A_39 : vector<1x16xf32> to vector<16xf32>
        %get3A_41 = arith.index_cast %scan3A_37 : i32 to index
        %get3A_42 = arith.constant 0 : index
        %get3A_43 = tpu.vector_load %arg12[%get3A_41, %get3A_42] {strides = array<i32>} : memref<128x16xf32, #tpu.memory_space<vmem>>, vector<1x16xf32>,
        %get3A_44 = vector.shape_cast %get3A_43 : vector<1x16xf32> to vector<16xf32>
        %add3A_45 = arith.addf %get3A_40, %get3A_44 : vector<16xf32>
        %min3A = arith.constant 6.000000e+01 : f32
        %min3A_46 = vector.broadcast %min3A : f32 to vector<16xf32>
        %min3A_47 = arith.minimumf %add3A_45, %min3A_46 : vector<16xf32>
        %mul3A_48 = arith.constant 2.000000e-01 : f32
        %mul3A_49 = vector.broadcast %mul3A_48 : f32 to vector<16xf32>
        %mul3A_50 = arith.mulf %mul3A_49, %min3A_47 : vector<16xf32>
        %max3A = arith.maximumf %min3A_47, %mul3A_50 : vector<16xf32>
        %exp3A = math.exp %max3A : vector<16xf32>
        %swap3A = arith.index_cast %scan3A_37 : i32 to index
        %swap3A_51 = arith.constant 0 : index
        %swap3A_52 = tpu.vector_load %arg13[%swap3A, %swap3A_51] {strides = array<i32>} : memref<128x16xf32, #tpu.memory_space<vmem>>, vector<1x16xf32>,
        %swap3A_53 = vector.shape_cast %swap3A_52 : vector<1x16xf32> to vector<16xf32>
        %swap3A_54 = vector.shape_cast %exp3A : vector<16xf32> to vector<1x16xf32>
        tpu.vector_store %arg13[%swap3A, %swap3A_51], %swap3A_54 {strides = array<i32>} : memref<128x16xf32, #tpu.memory_space<vmem>>, vector<1x16xf32>,
      }
      %scan3A_36 = arith.constant 128 : i32
      "tpu.region"() ({
        %run_scoped3A = tpu.sem_alloc : memref<!tpu.dma_semaphore, #tpu.memory_space<semaphore_mem>>
        %dma_start3A_37 = arith.constant 0 : i32
        %dma_start3A_38 = tpu.memref_slice %arg7[%add3A_20, %dma_start3A_37] : memref<323584x16xf32, #tpu.memory_space<hbm>> -> memref<128x16xf32, #tpu.memory_space<hbm>>
        %dma_start3A_39 = arith.constant 0 : i32
        %dma_start3A_40 = tpu.memref_slice %arg7[%add3A_20, %dma_start3A_39] : memref<323584x16xf32, #tpu.memory_space<hbm>> -> memref<128x16xf32, #tpu.memory_space<hbm>>
        tpu.enqueue_dma source(%arg13 : memref<128x16xf32, #tpu.memory_space<vmem>>) target(%dma_start3A_40 : memref<128x16xf32, #tpu.memory_space<hbm>>) target_semaphore(%run_scoped3A : memref<!tpu.dma_semaphore, #tpu.memory_space<semaphore_mem>>)
        %dma_wait3A_41 = arith.constant 0 : i32
        %dma_wait3A_42 = tpu.memref_slice %arg7[%add3A_20, %dma_wait3A_41] : memref<323584x16xf32, #tpu.memory_space<hbm>> -> memref<128x16xf32, #tpu.memory_space<hbm>>
        %dma_wait3A_43 = arith.constant 0 : i32
        %dma_wait3A_44 = tpu.memref_slice %arg7[%add3A_20, %dma_wait3A_43] : memref<323584x16xf32, #tpu.memory_space<hbm>> -> memref<128x16xf32, #tpu.memory_space<hbm>>
        tpu.wait_dma2 semaphore(%run_scoped3A : memref<!tpu.dma_semaphore, #tpu.memory_space<semaphore_mem>>) src(%arg13 : memref<128x16xf32, #tpu.memory_space<vmem>>) dst(%dma_wait3A_44 : memref<128x16xf32, #tpu.memory_space<hbm>>)
        tpu.yield
      }) : () -> ()
      "tpu.region"() ({
        %run_scoped3A = tpu.sem_alloc : memref<!tpu.dma_semaphore, #tpu.memory_space<semaphore_mem>>
        %dma_start3A_37 = arith.constant 0 : i32
        %dma_start3A_38 = arith.constant 0 : i32
        %dma_start3A_39 = tpu.memref_slice %arg16[%dma_start3A_37, %dma_start3A_38] : memref<10112x16xf32, #tpu.memory_space<vmem_shared>> -> memref<10112x16xf32, #tpu.memory_space<vmem_shared>>
        tpu.enqueue_indirect_dma source(%arg13 : memref<128x16xf32, #tpu.memory_space<vmem>>) target(%dma_start3A_39 : memref<10112x16xf32, #tpu.memory_space<vmem_shared>>) offsets(%arg10 : memref<128xi32, #tpu.memory_space<vmem>>) semaphore(%run_scoped3A : memref<!tpu.dma_semaphore, #tpu.memory_space<semaphore_mem>>) {add = true}
        %dma_wait3A_40 = arith.constant 0 : i32
        %dma_wait3A_41 = arith.constant 0 : i32
        %dma_wait3A_42 = tpu.memref_slice %arg16[%dma_wait3A_40, %dma_wait3A_41] : memref<10112x16xf32, #tpu.memory_space<vmem_shared>> -> memref<10112x16xf32, #tpu.memory_space<vmem_shared>>
        tpu.wait_indirect_dma semaphore(%run_scoped3A : memref<!tpu.dma_semaphore, #tpu.memory_space<semaphore_mem>>) src(%arg13 : memref<128x16xf32, #tpu.memory_space<vmem>>) dst(%dma_wait3A_42 : memref<10112x16xf32, #tpu.memory_space<vmem_shared>>)
        tpu.yield
      }) : () -> ()
    }
    %scan3A_9 = arith.constant 79 : i32
    %barrier3A_10 = arith.constant 0 : index
    tpu.barrier barrier_id(%barrier3A_10)
    %mul3A_11 = arith.constant 632 : i32
    %mul3A_12 = arith.muli %arg1, %mul3A_11 : i32
    %mul3A_13 = arith.constant 632 : i32
    %mul3A_14 = arith.muli %arg1, %mul3A_13 : i32
    "tpu.region"() ({
      %run_scoped3A = tpu.sem_alloc : memref<!tpu.dma_semaphore, #tpu.memory_space<semaphore_mem>>
      %dma_start3A = arith.constant 0 : i32
      %dma_start3A_15 = tpu.memref_slice %arg8[%arg0, %mul3A_14, %dma_start3A] : memref<2x10112x16xf32, #tpu.memory_space<hbm>> -> memref<1x632x16xf32, #tpu.memory_space<hbm>>
      %dma_start3A_16 = tpu.memref_squeeze %dma_start3A_15 : memref<1x632x16xf32, #tpu.memory_space<hbm>> -> memref<632x16xf32, #tpu.memory_space<hbm>>
      %dma_start3A_17 = arith.constant 0 : i32
      %dma_start3A_18 = tpu.memref_slice %arg16[%mul3A_12, %dma_start3A_17] : memref<10112x16xf32, #tpu.memory_space<vmem_shared>> -> memref<632x16xf32, #tpu.memory_space<vmem_shared>>
      tpu.enqueue_dma source(%dma_start3A_18 : memref<632x16xf32, #tpu.memory_space<vmem_shared>>) target(%dma_start3A_16 : memref<632x16xf32, #tpu.memory_space<hbm>>) target_semaphore(%run_scoped3A : memref<!tpu.dma_semaphore, #tpu.memory_space<semaphore_mem>>)
      %dma_wait3A = arith.constant 0 : i32
      %dma_wait3A_19 = tpu.memref_slice %arg8[%arg0, %mul3A_14, %dma_wait3A] : memref<2x10112x16xf32, #tpu.memory_space<hbm>> -> memref<1x632x16xf32, #tpu.memory_space<hbm>>
      %dma_wait3A_20 = tpu.memref_squeeze %dma_wait3A_19 : memref<1x632x16xf32, #tpu.memory_space<hbm>> -> memref<632x16xf32, #tpu.memory_space<hbm>>
      %dma_wait3A_21 = arith.constant 0 : i32
      %dma_wait3A_22 = tpu.memref_slice %arg16[%mul3A_12, %dma_wait3A_21] : memref<10112x16xf32, #tpu.memory_space<vmem_shared>> -> memref<632x16xf32, #tpu.memory_space<vmem_shared>>
      tpu.wait_dma2 semaphore(%run_scoped3A : memref<!tpu.dma_semaphore, #tpu.memory_space<semaphore_mem>>) src(%dma_wait3A_22 : memref<632x16xf32, #tpu.memory_space<vmem_shared>>) dst(%dma_wait3A_20 : memref<632x16xf32, #tpu.memory_space<hbm>>)
      tpu.yield
    }) : () -> ()
    return
  }
}

#map = affine_map<(d0, d1) -> (0)>
#map1 = affine_map<(d0, d1) -> (0, 0)>
#map2 = affine_map<(d0, d1) -> (0, 0, 0)>
module attributes {stable_mosaic.version = 14 : i64} {
  func.func @_sc_pass2_body(%arg0: i32, %arg1: i32, %arg2: memref<323584xi32, #tpu.memory_space<hbm>>, %arg3: memref<323584xi32, #tpu.memory_space<hbm>>, %arg4: memref<10001x128xf32, #tpu.memory_space<hbm>>, %arg5: memref<10001x16xf32, #tpu.memory_space<hbm>>, %arg6: memref<323584x16xf32, #tpu.memory_space<hbm>>, %arg7: memref<10112x128xf32, #tpu.memory_space<hbm>>, %arg8: memref<2x10112x128xf32, #tpu.memory_space<hbm>>, %arg9: memref<128xi32, #tpu.memory_space<vmem>>, %arg10: memref<128xi32, #tpu.memory_space<vmem>>, %arg11: memref<128x128xf32, #tpu.memory_space<vmem>>, %arg12: memref<128x16xf32, #tpu.memory_space<vmem>>, %arg13: memref<128x16xf32, #tpu.memory_space<vmem>>, %arg14: memref<128x128xf32, #tpu.memory_space<vmem>>, %arg15: memref<!tpu.dma_semaphore, #tpu.memory_space<semaphore_mem>>, %arg16: memref<!tpu.dma_semaphore, #tpu.memory_space<semaphore_mem>>, %arg17: memref<10112x128xf32, #tpu.memory_space<vmem_shared>>) attributes {dimension_semantics = [#tpu.dimension_semantics<core_parallel>, #tpu.dimension_semantics<subcore_parallel>], iteration_bounds = array<i64: 2, 16>, scalar_prefetch = 0 : i64, scratch_operands = 9 : i64, tpu.core_type = #tpu.core_type<sc_vector_subcore>, window_params = [{transform_indices = #map}, {transform_indices = #map}, {transform_indices = #map1}, {transform_indices = #map1}, {transform_indices = #map1}, {transform_indices = #map1}, {transform_indices = #map2}]} {
    %mul3A = arith.constant 2 : i32
    %mul3A_0 = arith.muli %arg1, %mul3A : i32
    %add3A = arith.addi %mul3A_0, %arg0 : i32
    %mul3A_1 = arith.constant 632 : i32
    %mul3A_2 = arith.muli %arg1, %mul3A_1 : i32
    %mul3A_3 = arith.constant 632 : i32
    %mul3A_4 = arith.muli %arg1, %mul3A_3 : i32
    "tpu.region"() ({
      %run_scoped3A = tpu.sem_alloc : memref<!tpu.dma_semaphore, #tpu.memory_space<semaphore_mem>>
      %dma_start3A = arith.constant 0 : i32
      %dma_start3A_15 = tpu.memref_slice %arg17[%mul3A_4, %dma_start3A] : memref<10112x128xf32, #tpu.memory_space<vmem_shared>> -> memref<632x128xf32, #tpu.memory_space<vmem_shared>>
      %dma_start3A_16 = arith.constant 0 : i32
      %dma_start3A_17 = tpu.memref_slice %arg7[%mul3A_2, %dma_start3A_16] : memref<10112x128xf32, #tpu.memory_space<hbm>> -> memref<632x128xf32, #tpu.memory_space<hbm>>
      tpu.enqueue_dma source(%dma_start3A_17 : memref<632x128xf32, #tpu.memory_space<hbm>>) target(%dma_start3A_15 : memref<632x128xf32, #tpu.memory_space<vmem_shared>>) target_semaphore(%run_scoped3A : memref<!tpu.dma_semaphore, #tpu.memory_space<semaphore_mem>>)
      %dma_wait3A = arith.constant 0 : i32
      %dma_wait3A_18 = tpu.memref_slice %arg17[%mul3A_4, %dma_wait3A] : memref<10112x128xf32, #tpu.memory_space<vmem_shared>> -> memref<632x128xf32, #tpu.memory_space<vmem_shared>>
      %dma_wait3A_19 = arith.constant 0 : i32
      %dma_wait3A_20 = tpu.memref_slice %arg7[%mul3A_2, %dma_wait3A_19] : memref<10112x128xf32, #tpu.memory_space<hbm>> -> memref<632x128xf32, #tpu.memory_space<hbm>>
      tpu.wait_dma2 semaphore(%run_scoped3A : memref<!tpu.dma_semaphore, #tpu.memory_space<semaphore_mem>>) src(%dma_wait3A_20 : memref<632x128xf32, #tpu.memory_space<hbm>>) dst(%dma_wait3A_18 : memref<632x128xf32, #tpu.memory_space<vmem_shared>>)
      tpu.yield
    }) : () -> ()
    %barrier3A = arith.constant 0 : index
    tpu.barrier barrier_id(%barrier3A)
    %scan3A = arith.constant 0 : i32
    %scan3A_5 = arith.constant 0 : i32
    %scan3A_6 = arith.constant 79 : i32
    %scan3A_7 = arith.addi %scan3A_5, %scan3A_6 : i32
    %scan3A_8 = arith.constant 1 : i32
    scf.for %scan3A_15 = %scan3A_5 to %scan3A_7 step %scan3A_8  : i32 {
      %mul3A_16 = arith.constant 10112 : i32
      %mul3A_17 = arith.muli %add3A, %mul3A_16 : i32
      %mul3A_18 = arith.constant 128 : i32
      %mul3A_19 = arith.muli %scan3A_15, %mul3A_18 : i32
      %add3A_20 = arith.addi %mul3A_17, %mul3A_19 : i32
      "tpu.region"() ({
        %run_scoped3A = tpu.sem_alloc : memref<!tpu.dma_semaphore, #tpu.memory_space<semaphore_mem>>
        %dma_start3A_37 = tpu.memref_slice %arg2[%add3A_20] : memref<323584xi32, #tpu.memory_space<hbm>> -> memref<128xi32, #tpu.memory_space<hbm>>
        %dma_start3A_38 = tpu.memref_slice %arg2[%add3A_20] : memref<323584xi32, #tpu.memory_space<hbm>> -> memref<128xi32, #tpu.memory_space<hbm>>
        tpu.enqueue_dma source(%dma_start3A_38 : memref<128xi32, #tpu.memory_space<hbm>>) target(%arg9 : memref<128xi32, #tpu.memory_space<vmem>>) target_semaphore(%run_scoped3A : memref<!tpu.dma_semaphore, #tpu.memory_space<semaphore_mem>>)
        %dma_wait3A_39 = tpu.memref_slice %arg2[%add3A_20] : memref<323584xi32, #tpu.memory_space<hbm>> -> memref<128xi32, #tpu.memory_space<hbm>>
        %dma_wait3A_40 = tpu.memref_slice %arg2[%add3A_20] : memref<323584xi32, #tpu.memory_space<hbm>> -> memref<128xi32, #tpu.memory_space<hbm>>
        tpu.wait_dma2 semaphore(%run_scoped3A : memref<!tpu.dma_semaphore, #tpu.memory_space<semaphore_mem>>) src(%dma_wait3A_40 : memref<128xi32, #tpu.memory_space<hbm>>) dst(%arg9 : memref<128xi32, #tpu.memory_space<vmem>>)
        tpu.yield
      }) : () -> ()
      "tpu.region"() ({
        %run_scoped3A = tpu.sem_alloc : memref<!tpu.dma_semaphore, #tpu.memory_space<semaphore_mem>>
        %dma_start3A_37 = tpu.memref_slice %arg3[%add3A_20] : memref<323584xi32, #tpu.memory_space<hbm>> -> memref<128xi32, #tpu.memory_space<hbm>>
        %dma_start3A_38 = tpu.memref_slice %arg3[%add3A_20] : memref<323584xi32, #tpu.memory_space<hbm>> -> memref<128xi32, #tpu.memory_space<hbm>>
        tpu.enqueue_dma source(%dma_start3A_38 : memref<128xi32, #tpu.memory_space<hbm>>) target(%arg10 : memref<128xi32, #tpu.memory_space<vmem>>) target_semaphore(%run_scoped3A : memref<!tpu.dma_semaphore, #tpu.memory_space<semaphore_mem>>)
        %dma_wait3A_39 = tpu.memref_slice %arg3[%add3A_20] : memref<323584xi32, #tpu.memory_space<hbm>> -> memref<128xi32, #tpu.memory_space<hbm>>
        %dma_wait3A_40 = tpu.memref_slice %arg3[%add3A_20] : memref<323584xi32, #tpu.memory_space<hbm>> -> memref<128xi32, #tpu.memory_space<hbm>>
        tpu.wait_dma2 semaphore(%run_scoped3A : memref<!tpu.dma_semaphore, #tpu.memory_space<semaphore_mem>>) src(%dma_wait3A_40 : memref<128xi32, #tpu.memory_space<hbm>>) dst(%arg10 : memref<128xi32, #tpu.memory_space<vmem>>)
        tpu.yield
      }) : () -> ()
      %dma_start3A = arith.constant 0 : i32
      %dma_start3A_21 = arith.constant 0 : i32
      %dma_start3A_22 = tpu.memref_slice %arg4[%dma_start3A, %dma_start3A_21] : memref<10001x128xf32, #tpu.memory_space<hbm>> -> memref<10001x128xf32, #tpu.memory_space<hbm>>
      tpu.enqueue_indirect_dma source(%dma_start3A_22 : memref<10001x128xf32, #tpu.memory_space<hbm>>) target(%arg11 : memref<128x128xf32, #tpu.memory_space<vmem>>) offsets(%arg9 : memref<128xi32, #tpu.memory_space<vmem>>) semaphore(%arg15 : memref<!tpu.dma_semaphore, #tpu.memory_space<semaphore_mem>>)
      %dma_start3A_23 = arith.constant 0 : i32
      %dma_start3A_24 = arith.constant 0 : i32
      %dma_start3A_25 = tpu.memref_slice %arg5[%dma_start3A_23, %dma_start3A_24] : memref<10001x16xf32, #tpu.memory_space<hbm>> -> memref<10001x16xf32, #tpu.memory_space<hbm>>
      tpu.enqueue_indirect_dma source(%dma_start3A_25 : memref<10001x16xf32, #tpu.memory_space<hbm>>) target(%arg12 : memref<128x16xf32, #tpu.memory_space<vmem>>) offsets(%arg10 : memref<128xi32, #tpu.memory_space<vmem>>) semaphore(%arg16 : memref<!tpu.dma_semaphore, #tpu.memory_space<semaphore_mem>>)
      "tpu.region"() ({
        %run_scoped3A = tpu.sem_alloc : memref<!tpu.dma_semaphore, #tpu.memory_space<semaphore_mem>>
        %dma_start3A_37 = arith.constant 0 : i32
        %dma_start3A_38 = tpu.memref_slice %arg6[%add3A_20, %dma_start3A_37] : memref<323584x16xf32, #tpu.memory_space<hbm>> -> memref<128x16xf32, #tpu.memory_space<hbm>>
        %dma_start3A_39 = arith.constant 0 : i32
        %dma_start3A_40 = tpu.memref_slice %arg6[%add3A_20, %dma_start3A_39] : memref<323584x16xf32, #tpu.memory_space<hbm>> -> memref<128x16xf32, #tpu.memory_space<hbm>>
        tpu.enqueue_dma source(%dma_start3A_40 : memref<128x16xf32, #tpu.memory_space<hbm>>) target(%arg13 : memref<128x16xf32, #tpu.memory_space<vmem>>) target_semaphore(%run_scoped3A : memref<!tpu.dma_semaphore, #tpu.memory_space<semaphore_mem>>)
        %dma_wait3A_41 = arith.constant 0 : i32
        %dma_wait3A_42 = tpu.memref_slice %arg6[%add3A_20, %dma_wait3A_41] : memref<323584x16xf32, #tpu.memory_space<hbm>> -> memref<128x16xf32, #tpu.memory_space<hbm>>
        %dma_wait3A_43 = arith.constant 0 : i32
        %dma_wait3A_44 = tpu.memref_slice %arg6[%add3A_20, %dma_wait3A_43] : memref<323584x16xf32, #tpu.memory_space<hbm>> -> memref<128x16xf32, #tpu.memory_space<hbm>>
        tpu.wait_dma2 semaphore(%run_scoped3A : memref<!tpu.dma_semaphore, #tpu.memory_space<semaphore_mem>>) src(%dma_wait3A_44 : memref<128x16xf32, #tpu.memory_space<hbm>>) dst(%arg13 : memref<128x16xf32, #tpu.memory_space<vmem>>)
        tpu.yield
      }) : () -> ()
      %dma_wait3A = arith.constant 0 : i32
      %dma_wait3A_26 = arith.constant 0 : i32
      %dma_wait3A_27 = tpu.memref_slice %arg4[%dma_wait3A, %dma_wait3A_26] : memref<10001x128xf32, #tpu.memory_space<hbm>> -> memref<10001x128xf32, #tpu.memory_space<hbm>>
      tpu.wait_indirect_dma semaphore(%arg15 : memref<!tpu.dma_semaphore, #tpu.memory_space<semaphore_mem>>) src(%dma_wait3A_27 : memref<10001x128xf32, #tpu.memory_space<hbm>>) dst(%arg11 : memref<128x128xf32, #tpu.memory_space<vmem>>)
      %dma_wait3A_28 = arith.constant 0 : i32
      %dma_wait3A_29 = arith.constant 0 : i32
      %dma_wait3A_30 = tpu.memref_slice %arg5[%dma_wait3A_28, %dma_wait3A_29] : memref<10001x16xf32, #tpu.memory_space<hbm>> -> memref<10001x16xf32, #tpu.memory_space<hbm>>
      tpu.wait_indirect_dma semaphore(%arg16 : memref<!tpu.dma_semaphore, #tpu.memory_space<semaphore_mem>>) src(%dma_wait3A_30 : memref<10001x16xf32, #tpu.memory_space<hbm>>) dst(%arg12 : memref<128x16xf32, #tpu.memory_space<vmem>>)
      %scan3A_31 = arith.constant 0 : i32
      %scan3A_32 = arith.constant 0 : i32
      %scan3A_33 = arith.constant 128 : i32
      %scan3A_34 = arith.addi %scan3A_32, %scan3A_33 : i32
      %scan3A_35 = arith.constant 1 : i32
      scf.for %scan3A_37 = %scan3A_32 to %scan3A_34 step %scan3A_35  : i32 {
        %get3A = arith.index_cast %scan3A_37 : i32 to index
        %get3A_38 = arith.constant 0 : index
        %get3A_39 = tpu.vector_load %arg12[%get3A, %get3A_38] {strides = array<i32>} : memref<128x16xf32, #tpu.memory_space<vmem>>, vector<1x16xf32>,
        %get3A_40 = vector.shape_cast %get3A_39 : vector<1x16xf32> to vector<16xf32>
        %get3A_41 = arith.index_cast %scan3A_37 : i32 to index
        %get3A_42 = arith.constant 0 : index
        %get3A_43 = tpu.vector_load %arg13[%get3A_41, %get3A_42] {strides = array<i32>} : memref<128x16xf32, #tpu.memory_space<vmem>>, vector<1x16xf32>,
        %get3A_44 = vector.shape_cast %get3A_43 : vector<1x16xf32> to vector<16xf32>
        %mul3A_45 = arith.mulf %get3A_40, %get3A_44 : vector<16xf32>
        %slice3A = vector.extract_strided_slice %mul3A_45 {offsets = [0], sizes = [1], strides = [1]} : vector<16xf32> to vector<1xf32>
        %squeeze3A = vector.extract %slice3A[0] : f32 from vector<1xf32>
        %broadcast_in_dim3A = vector.broadcast %squeeze3A : f32 to vector<16xf32>
        %get3A_46 = arith.index_cast %scan3A_37 : i32 to index
        %get3A_47 = arith.constant 0 : index
        %get3A_48 = tpu.vector_load %arg11[%get3A_46, %get3A_47] {strides = array<i32>} : memref<128x128xf32, #tpu.memory_space<vmem>>, vector<1x16xf32>,
        %get3A_49 = vector.shape_cast %get3A_48 : vector<1x16xf32> to vector<16xf32>
        %mul3A_50 = arith.mulf %get3A_49, %broadcast_in_dim3A : vector<16xf32>
        %swap3A = arith.index_cast %scan3A_37 : i32 to index
        %swap3A_51 = arith.constant 0 : index
        %swap3A_52 = tpu.vector_load %arg14[%swap3A, %swap3A_51] {strides = array<i32>} : memref<128x128xf32, #tpu.memory_space<vmem>>, vector<1x16xf32>,
        %swap3A_53 = vector.shape_cast %swap3A_52 : vector<1x16xf32> to vector<16xf32>
        %swap3A_54 = vector.shape_cast %mul3A_50 : vector<16xf32> to vector<1x16xf32>
        tpu.vector_store %arg14[%swap3A, %swap3A_51], %swap3A_54 {strides = array<i32>} : memref<128x128xf32, #tpu.memory_space<vmem>>, vector<1x16xf32>,
        %slice3A_55 = vector.extract_strided_slice %mul3A_45 {offsets = [1], sizes = [1], strides = [1]} : vector<16xf32> to vector<1xf32>
        %squeeze3A_56 = vector.extract %slice3A_55[0] : f32 from vector<1xf32>
        %broadcast_in_dim3A_57 = vector.broadcast %squeeze3A_56 : f32 to vector<16xf32>
        %get3A_58 = arith.index_cast %scan3A_37 : i32 to index
        %get3A_59 = arith.constant 16 : index
        %get3A_60 = tpu.vector_load %arg11[%get3A_58, %get3A_59] {strides = array<i32>} : memref<128x128xf32, #tpu.memory_space<vmem>>, vector<1x16xf32>,
        %get3A_61 = vector.shape_cast %get3A_60 : vector<1x16xf32> to vector<16xf32>
        %mul3A_62 = arith.mulf %get3A_61, %broadcast_in_dim3A_57 : vector<16xf32>
        %swap3A_63 = arith.index_cast %scan3A_37 : i32 to index
        %swap3A_64 = arith.constant 16 : index
        %swap3A_65 = tpu.vector_load %arg14[%swap3A_63, %swap3A_64] {strides = array<i32>} : memref<128x128xf32, #tpu.memory_space<vmem>>, vector<1x16xf32>,
        %swap3A_66 = vector.shape_cast %swap3A_65 : vector<1x16xf32> to vector<16xf32>
        %swap3A_67 = vector.shape_cast %mul3A_62 : vector<16xf32> to vector<1x16xf32>
        tpu.vector_store %arg14[%swap3A_63, %swap3A_64], %swap3A_67 {strides = array<i32>} : memref<128x128xf32, #tpu.memory_space<vmem>>, vector<1x16xf32>,
        %slice3A_68 = vector.extract_strided_slice %mul3A_45 {offsets = [2], sizes = [1], strides = [1]} : vector<16xf32> to vector<1xf32>
        %squeeze3A_69 = vector.extract %slice3A_68[0] : f32 from vector<1xf32>
        %broadcast_in_dim3A_70 = vector.broadcast %squeeze3A_69 : f32 to vector<16xf32>
        %get3A_71 = arith.index_cast %scan3A_37 : i32 to index
        %get3A_72 = arith.constant 32 : index
        %get3A_73 = tpu.vector_load %arg11[%get3A_71, %get3A_72] {strides = array<i32>} : memref<128x128xf32, #tpu.memory_space<vmem>>, vector<1x16xf32>,
        %get3A_74 = vector.shape_cast %get3A_73 : vector<1x16xf32> to vector<16xf32>
        %mul3A_75 = arith.mulf %get3A_74, %broadcast_in_dim3A_70 : vector<16xf32>
        %swap3A_76 = arith.index_cast %scan3A_37 : i32 to index
        %swap3A_77 = arith.constant 32 : index
        %swap3A_78 = tpu.vector_load %arg14[%swap3A_76, %swap3A_77] {strides = array<i32>} : memref<128x128xf32, #tpu.memory_space<vmem>>, vector<1x16xf32>,
        %swap3A_79 = vector.shape_cast %swap3A_78 : vector<1x16xf32> to vector<16xf32>
        %swap3A_80 = vector.shape_cast %mul3A_75 : vector<16xf32> to vector<1x16xf32>
        tpu.vector_store %arg14[%swap3A_76, %swap3A_77], %swap3A_80 {strides = array<i32>} : memref<128x128xf32, #tpu.memory_space<vmem>>, vector<1x16xf32>,
        %slice3A_81 = vector.extract_strided_slice %mul3A_45 {offsets = [3], sizes = [1], strides = [1]} : vector<16xf32> to vector<1xf32>
        %squeeze3A_82 = vector.extract %slice3A_81[0] : f32 from vector<1xf32>
        %broadcast_in_dim3A_83 = vector.broadcast %squeeze3A_82 : f32 to vector<16xf32>
        %get3A_84 = arith.index_cast %scan3A_37 : i32 to index
        %get3A_85 = arith.constant 48 : index
        %get3A_86 = tpu.vector_load %arg11[%get3A_84, %get3A_85] {strides = array<i32>} : memref<128x128xf32, #tpu.memory_space<vmem>>, vector<1x16xf32>,
        %get3A_87 = vector.shape_cast %get3A_86 : vector<1x16xf32> to vector<16xf32>
        %mul3A_88 = arith.mulf %get3A_87, %broadcast_in_dim3A_83 : vector<16xf32>
        %swap3A_89 = arith.index_cast %scan3A_37 : i32 to index
        %swap3A_90 = arith.constant 48 : index
        %swap3A_91 = tpu.vector_load %arg14[%swap3A_89, %swap3A_90] {strides = array<i32>} : memref<128x128xf32, #tpu.memory_space<vmem>>, vector<1x16xf32>,
        %swap3A_92 = vector.shape_cast %swap3A_91 : vector<1x16xf32> to vector<16xf32>
        %swap3A_93 = vector.shape_cast %mul3A_88 : vector<16xf32> to vector<1x16xf32>
        tpu.vector_store %arg14[%swap3A_89, %swap3A_90], %swap3A_93 {strides = array<i32>} : memref<128x128xf32, #tpu.memory_space<vmem>>, vector<1x16xf32>,
        %slice3A_94 = vector.extract_strided_slice %mul3A_45 {offsets = [4], sizes = [1], strides = [1]} : vector<16xf32> to vector<1xf32>
        %squeeze3A_95 = vector.extract %slice3A_94[0] : f32 from vector<1xf32>
        %broadcast_in_dim3A_96 = vector.broadcast %squeeze3A_95 : f32 to vector<16xf32>
        %get3A_97 = arith.index_cast %scan3A_37 : i32 to index
        %get3A_98 = arith.constant 64 : index
        %get3A_99 = tpu.vector_load %arg11[%get3A_97, %get3A_98] {strides = array<i32>} : memref<128x128xf32, #tpu.memory_space<vmem>>, vector<1x16xf32>,
        %get3A_100 = vector.shape_cast %get3A_99 : vector<1x16xf32> to vector<16xf32>
        %mul3A_101 = arith.mulf %get3A_100, %broadcast_in_dim3A_96 : vector<16xf32>
        %swap3A_102 = arith.index_cast %scan3A_37 : i32 to index
        %swap3A_103 = arith.constant 64 : index
        %swap3A_104 = tpu.vector_load %arg14[%swap3A_102, %swap3A_103] {strides = array<i32>} : memref<128x128xf32, #tpu.memory_space<vmem>>, vector<1x16xf32>,
        %swap3A_105 = vector.shape_cast %swap3A_104 : vector<1x16xf32> to vector<16xf32>
        %swap3A_106 = vector.shape_cast %mul3A_101 : vector<16xf32> to vector<1x16xf32>
        tpu.vector_store %arg14[%swap3A_102, %swap3A_103], %swap3A_106 {strides = array<i32>} : memref<128x128xf32, #tpu.memory_space<vmem>>, vector<1x16xf32>,
        %slice3A_107 = vector.extract_strided_slice %mul3A_45 {offsets = [5], sizes = [1], strides = [1]} : vector<16xf32> to vector<1xf32>
        %squeeze3A_108 = vector.extract %slice3A_107[0] : f32 from vector<1xf32>
        %broadcast_in_dim3A_109 = vector.broadcast %squeeze3A_108 : f32 to vector<16xf32>
        %get3A_110 = arith.index_cast %scan3A_37 : i32 to index
        %get3A_111 = arith.constant 80 : index
        %get3A_112 = tpu.vector_load %arg11[%get3A_110, %get3A_111] {strides = array<i32>} : memref<128x128xf32, #tpu.memory_space<vmem>>, vector<1x16xf32>,
        %get3A_113 = vector.shape_cast %get3A_112 : vector<1x16xf32> to vector<16xf32>
        %mul3A_114 = arith.mulf %get3A_113, %broadcast_in_dim3A_109 : vector<16xf32>
        %swap3A_115 = arith.index_cast %scan3A_37 : i32 to index
        %swap3A_116 = arith.constant 80 : index
        %swap3A_117 = tpu.vector_load %arg14[%swap3A_115, %swap3A_116] {strides = array<i32>} : memref<128x128xf32, #tpu.memory_space<vmem>>, vector<1x16xf32>,
        %swap3A_118 = vector.shape_cast %swap3A_117 : vector<1x16xf32> to vector<16xf32>
        %swap3A_119 = vector.shape_cast %mul3A_114 : vector<16xf32> to vector<1x16xf32>
        tpu.vector_store %arg14[%swap3A_115, %swap3A_116], %swap3A_119 {strides = array<i32>} : memref<128x128xf32, #tpu.memory_space<vmem>>, vector<1x16xf32>,
        %slice3A_120 = vector.extract_strided_slice %mul3A_45 {offsets = [6], sizes = [1], strides = [1]} : vector<16xf32> to vector<1xf32>
        %squeeze3A_121 = vector.extract %slice3A_120[0] : f32 from vector<1xf32>
        %broadcast_in_dim3A_122 = vector.broadcast %squeeze3A_121 : f32 to vector<16xf32>
        %get3A_123 = arith.index_cast %scan3A_37 : i32 to index
        %get3A_124 = arith.constant 96 : index
        %get3A_125 = tpu.vector_load %arg11[%get3A_123, %get3A_124] {strides = array<i32>} : memref<128x128xf32, #tpu.memory_space<vmem>>, vector<1x16xf32>,
        %get3A_126 = vector.shape_cast %get3A_125 : vector<1x16xf32> to vector<16xf32>
        %mul3A_127 = arith.mulf %get3A_126, %broadcast_in_dim3A_122 : vector<16xf32>
        %swap3A_128 = arith.index_cast %scan3A_37 : i32 to index
        %swap3A_129 = arith.constant 96 : index
        %swap3A_130 = tpu.vector_load %arg14[%swap3A_128, %swap3A_129] {strides = array<i32>} : memref<128x128xf32, #tpu.memory_space<vmem>>, vector<1x16xf32>,
        %swap3A_131 = vector.shape_cast %swap3A_130 : vector<1x16xf32> to vector<16xf32>
        %swap3A_132 = vector.shape_cast %mul3A_127 : vector<16xf32> to vector<1x16xf32>
        tpu.vector_store %arg14[%swap3A_128, %swap3A_129], %swap3A_132 {strides = array<i32>} : memref<128x128xf32, #tpu.memory_space<vmem>>, vector<1x16xf32>,
        %slice3A_133 = vector.extract_strided_slice %mul3A_45 {offsets = [7], sizes = [1], strides = [1]} : vector<16xf32> to vector<1xf32>
        %squeeze3A_134 = vector.extract %slice3A_133[0] : f32 from vector<1xf32>
        %broadcast_in_dim3A_135 = vector.broadcast %squeeze3A_134 : f32 to vector<16xf32>
        %get3A_136 = arith.index_cast %scan3A_37 : i32 to index
        %get3A_137 = arith.constant 112 : index
        %get3A_138 = tpu.vector_load %arg11[%get3A_136, %get3A_137] {strides = array<i32>} : memref<128x128xf32, #tpu.memory_space<vmem>>, vector<1x16xf32>,
        %get3A_139 = vector.shape_cast %get3A_138 : vector<1x16xf32> to vector<16xf32>
        %mul3A_140 = arith.mulf %get3A_139, %broadcast_in_dim3A_135 : vector<16xf32>
        %swap3A_141 = arith.index_cast %scan3A_37 : i32 to index
        %swap3A_142 = arith.constant 112 : index
        %swap3A_143 = tpu.vector_load %arg14[%swap3A_141, %swap3A_142] {strides = array<i32>} : memref<128x128xf32, #tpu.memory_space<vmem>>, vector<1x16xf32>,
        %swap3A_144 = vector.shape_cast %swap3A_143 : vector<1x16xf32> to vector<16xf32>
        %swap3A_145 = vector.shape_cast %mul3A_140 : vector<16xf32> to vector<1x16xf32>
        tpu.vector_store %arg14[%swap3A_141, %swap3A_142], %swap3A_145 {strides = array<i32>} : memref<128x128xf32, #tpu.memory_space<vmem>>, vector<1x16xf32>,
      }
      %scan3A_36 = arith.constant 128 : i32
      "tpu.region"() ({
        %run_scoped3A = tpu.sem_alloc : memref<!tpu.dma_semaphore, #tpu.memory_space<semaphore_mem>>
        %dma_start3A_37 = arith.constant 0 : i32
        %dma_start3A_38 = arith.constant 0 : i32
        %dma_start3A_39 = tpu.memref_slice %arg17[%dma_start3A_37, %dma_start3A_38] : memref<10112x128xf32, #tpu.memory_space<vmem_shared>> -> memref<10112x128xf32, #tpu.memory_space<vmem_shared>>
        tpu.enqueue_indirect_dma source(%arg14 : memref<128x128xf32, #tpu.memory_space<vmem>>) target(%dma_start3A_39 : memref<10112x128xf32, #tpu.memory_space<vmem_shared>>) offsets(%arg10 : memref<128xi32, #tpu.memory_space<vmem>>) semaphore(%run_scoped3A : memref<!tpu.dma_semaphore, #tpu.memory_space<semaphore_mem>>) {add = true}
        %dma_wait3A_40 = arith.constant 0 : i32
        %dma_wait3A_41 = arith.constant 0 : i32
        %dma_wait3A_42 = tpu.memref_slice %arg17[%dma_wait3A_40, %dma_wait3A_41] : memref<10112x128xf32, #tpu.memory_space<vmem_shared>> -> memref<10112x128xf32, #tpu.memory_space<vmem_shared>>
        tpu.wait_indirect_dma semaphore(%run_scoped3A : memref<!tpu.dma_semaphore, #tpu.memory_space<semaphore_mem>>) src(%arg14 : memref<128x128xf32, #tpu.memory_space<vmem>>) dst(%dma_wait3A_42 : memref<10112x128xf32, #tpu.memory_space<vmem_shared>>)
        tpu.yield
      }) : () -> ()
    }
    %scan3A_9 = arith.constant 79 : i32
    %barrier3A_10 = arith.constant 0 : index
    tpu.barrier barrier_id(%barrier3A_10)
    %mul3A_11 = arith.constant 632 : i32
    %mul3A_12 = arith.muli %arg1, %mul3A_11 : i32
    %mul3A_13 = arith.constant 632 : i32
    %mul3A_14 = arith.muli %arg1, %mul3A_13 : i32
    "tpu.region"() ({
      %run_scoped3A = tpu.sem_alloc : memref<!tpu.dma_semaphore, #tpu.memory_space<semaphore_mem>>
      %dma_start3A = arith.constant 0 : i32
      %dma_start3A_15 = tpu.memref_slice %arg8[%arg0, %mul3A_14, %dma_start3A] : memref<2x10112x128xf32, #tpu.memory_space<hbm>> -> memref<1x632x128xf32, #tpu.memory_space<hbm>>
      %dma_start3A_16 = tpu.memref_squeeze %dma_start3A_15 : memref<1x632x128xf32, #tpu.memory_space<hbm>> -> memref<632x128xf32, #tpu.memory_space<hbm>>
      %dma_start3A_17 = arith.constant 0 : i32
      %dma_start3A_18 = tpu.memref_slice %arg17[%mul3A_12, %dma_start3A_17] : memref<10112x128xf32, #tpu.memory_space<vmem_shared>> -> memref<632x128xf32, #tpu.memory_space<vmem_shared>>
      tpu.enqueue_dma source(%dma_start3A_18 : memref<632x128xf32, #tpu.memory_space<vmem_shared>>) target(%dma_start3A_16 : memref<632x128xf32, #tpu.memory_space<hbm>>) target_semaphore(%run_scoped3A : memref<!tpu.dma_semaphore, #tpu.memory_space<semaphore_mem>>)
      %dma_wait3A = arith.constant 0 : i32
      %dma_wait3A_19 = tpu.memref_slice %arg8[%arg0, %mul3A_14, %dma_wait3A] : memref<2x10112x128xf32, #tpu.memory_space<hbm>> -> memref<1x632x128xf32, #tpu.memory_space<hbm>>
      %dma_wait3A_20 = tpu.memref_squeeze %dma_wait3A_19 : memref<1x632x128xf32, #tpu.memory_space<hbm>> -> memref<632x128xf32, #tpu.memory_space<hbm>>
      %dma_wait3A_21 = arith.constant 0 : i32
      %dma_wait3A_22 = tpu.memref_slice %arg17[%mul3A_12, %dma_wait3A_21] : memref<10112x128xf32, #tpu.memory_space<vmem_shared>> -> memref<632x128xf32, #tpu.memory_space<vmem_shared>>
      tpu.wait_dma2 semaphore(%run_scoped3A : memref<!tpu.dma_semaphore, #tpu.memory_space<semaphore_mem>>) src(%dma_wait3A_22 : memref<632x128xf32, #tpu.memory_space<vmem_shared>>) dst(%dma_wait3A_20 : memref<632x128xf32, #tpu.memory_space<hbm>>)
      tpu.yield
    }) : () -> ()
    return
  }
}

module attributes {stable_mosaic.version = 14 : i64} {
  func.func @_dense1_body(%arg0: i32, %arg1: memref<400x128xf32, #tpu.memory_space<vmem>>, %arg2: memref<128x128xf32, #tpu.memory_space<vmem>>, %arg3: memref<128x32xf32, #tpu.memory_space<vmem>>, %arg4: memref<400x128xf32, #tpu.memory_space<vmem>>, %arg5: memref<400x16xf32, #tpu.memory_space<vmem>>, %arg6: memref<400x16xf32, #tpu.memory_space<vmem>>, %arg7: memref<400x16xf32, #tpu.memory_space<vmem>>) attributes {dimension_semantics = [#tpu.dimension_semantics<arbitrary>], iteration_bounds = array<i64: 25>, scalar_prefetch = 0 : i64, scratch_operands = 0 : i64, tpu.core_type = #tpu.core_type<tc>, window_params = [{transform_indices = @transform_0, window_bounds = array<i64: 400, 128>}, {pipeline_mode = #tpu.pipeline_mode<synchronous>, transform_indices = @transform_1, window_bounds = array<i64: 128, 128>}, {pipeline_mode = #tpu.pipeline_mode<synchronous>, transform_indices = @transform_2, window_bounds = array<i64: 128, 32>}, {transform_indices = @transform_3, window_bounds = array<i64: 400, 128>}, {transform_indices = @transform_4, window_bounds = array<i64: 400, 16>}, {transform_indices = @transform_5, window_bounds = array<i64: 400, 16>}, {transform_indices = @transform_6, window_bounds = array<i64: 400, 16>}]} {
    %get3A = arith.constant 0 : index
    %get3A_0 = arith.constant 0 : index
    %get3A_1 = vector.load %arg1[%get3A, %get3A_0] : memref<400x128xf32, #tpu.memory_space<vmem>>, vector<400x128xf32>
    %get3A_2 = arith.constant 0 : index
    %get3A_3 = arith.constant 0 : index
    %get3A_4 = vector.load %arg2[%get3A_2, %get3A_3] : memref<128x128xf32, #tpu.memory_space<vmem>>, vector<128x128xf32>
    %dot_general3A = arith.constant dense<0.000000e+00> : vector<400x128xf32>
    %dot_general3A_5 = tpu.matmul %get3A_1, %get3A_4, %dot_general3A {dimension_numbers = #tpu.dot_dimension_numbers<[1], [0], [0], [1], [0, 0, 1, 1], [], []>, transpose_lhs_hint = false} : vector<400x128xf32>, vector<128x128xf32>, vector<400x128xf32> -> vector<400x128xf32>
    %get3A_6 = arith.constant 0 : index
    %get3A_7 = arith.constant 0 : index
    %get3A_8 = vector.load %arg3[%get3A_6, %get3A_7] : memref<128x32xf32, #tpu.memory_space<vmem>>, vector<128x32xf32>
    %dot_general3A_9 = arith.constant dense<0.000000e+00> : vector<400x32xf32>
    %dot_general3A_10 = tpu.matmul %dot_general3A_5, %get3A_8, %dot_general3A_9 {dimension_numbers = #tpu.dot_dimension_numbers<[1], [0], [0], [1], [0, 0, 1, 1], [], []>, transpose_lhs_hint = false} : vector<400x128xf32>, vector<128x32xf32>, vector<400x32xf32> -> vector<400x32xf32>
    %slice3A = vector.extract_strided_slice %dot_general3A_10 {offsets = [0, 0], sizes = [400, 16], strides = [1, 1]} : vector<400x32xf32> to vector<400x16xf32>
    %slice3A_11 = vector.extract_strided_slice %dot_general3A_10 {offsets = [0, 16], sizes = [400, 16], strides = [1, 1]} : vector<400x32xf32> to vector<400x16xf32>
    %add3A = arith.addf %slice3A, %slice3A_11 : vector<400x16xf32>
    %min3A = arith.constant 6.000000e+01 : f32
    %min3A_12 = vector.broadcast %min3A : f32 to vector<400x16xf32>
    %min3A_13 = arith.minimumf %add3A, %min3A_12 : vector<400x16xf32>
    %mul3A = arith.constant 2.000000e-01 : f32
    %mul3A_14 = vector.broadcast %mul3A : f32 to vector<400x16xf32>
    %mul3A_15 = arith.mulf %mul3A_14, %min3A_13 : vector<400x16xf32>
    %max3A = arith.maximumf %min3A_13, %mul3A_15 : vector<400x16xf32>
    %swap3A = arith.constant 0 : index
    %swap3A_16 = arith.constant 0 : index
    %swap3A_17 = vector.load %arg4[%swap3A, %swap3A_16] : memref<400x128xf32, #tpu.memory_space<vmem>>, vector<400x128xf32>
    tpu.vector_store %arg4[%swap3A, %swap3A_16], %dot_general3A_5 {strides = array<i32>} : memref<400x128xf32, #tpu.memory_space<vmem>>, vector<400x128xf32>,
    %swap3A_18 = arith.constant 0 : index
    %swap3A_19 = arith.constant 0 : index
    %swap3A_20 = vector.load %arg5[%swap3A_18, %swap3A_19] : memref<400x16xf32, #tpu.memory_space<vmem>>, vector<400x16xf32>
    tpu.vector_store %arg5[%swap3A_18, %swap3A_19], %slice3A {strides = array<i32>} : memref<400x16xf32, #tpu.memory_space<vmem>>, vector<400x16xf32>,
    %swap3A_21 = arith.constant 0 : index
    %swap3A_22 = arith.constant 0 : index
    %swap3A_23 = vector.load %arg6[%swap3A_21, %swap3A_22] : memref<400x16xf32, #tpu.memory_space<vmem>>, vector<400x16xf32>
    tpu.vector_store %arg6[%swap3A_21, %swap3A_22], %slice3A_11 {strides = array<i32>} : memref<400x16xf32, #tpu.memory_space<vmem>>, vector<400x16xf32>,
    %exp3A = math.exp %max3A : vector<400x16xf32>
    %swap3A_24 = arith.constant 0 : index
    %swap3A_25 = arith.constant 0 : index
    %swap3A_26 = vector.load %arg7[%swap3A_24, %swap3A_25] : memref<400x16xf32, #tpu.memory_space<vmem>>, vector<400x16xf32>
    tpu.vector_store %arg7[%swap3A_24, %swap3A_25], %exp3A {strides = array<i32>} : memref<400x16xf32, #tpu.memory_space<vmem>>, vector<400x16xf32>,
    return
  }
  func.func @transform_0(%arg0: i32) -> (i32, i32) {
    %c0_i32 = arith.constant 0 : i32
    %c0_i32_0 = arith.constant 0 : i32
    return %arg0, %c0_i32 : i32, i32
  }
  func.func @transform_1(%arg0: i32) -> (i32, i32) {
    %c0_i32 = arith.constant 0 : i32
    %c0_i32_0 = arith.constant 0 : i32
    %c0_i32_1 = arith.constant 0 : i32
    return %c0_i32, %c0_i32_0 : i32, i32
  }
  func.func @transform_2(%arg0: i32) -> (i32, i32) {
    %c0_i32 = arith.constant 0 : i32
    %c0_i32_0 = arith.constant 0 : i32
    %c0_i32_1 = arith.constant 0 : i32
    return %c0_i32, %c0_i32_0 : i32, i32
  }
  func.func @transform_3(%arg0: i32) -> (i32, i32) {
    %c0_i32 = arith.constant 0 : i32
    %c0_i32_0 = arith.constant 0 : i32
    return %arg0, %c0_i32 : i32, i32
  }
  func.func @transform_4(%arg0: i32) -> (i32, i32) {
    %c0_i32 = arith.constant 0 : i32
    %c0_i32_0 = arith.constant 0 : i32
    return %arg0, %c0_i32 : i32, i32
  }
  func.func @transform_5(%arg0: i32) -> (i32, i32) {
    %c0_i32 = arith.constant 0 : i32
    %c0_i32_0 = arith.constant 0 : i32
    return %arg0, %c0_i32 : i32, i32
  }
  func.func @transform_6(%arg0: i32) -> (i32, i32) {
    %c0_i32 = arith.constant 0 : i32
    %c0_i32_0 = arith.constant 0 : i32
    return %arg0, %c0_i32 : i32, i32
  }
}

module attributes {stable_mosaic.version = 14 : i64} {
  func.func @_dense2_body(%arg0: i32, %arg1: memref<400x16xf32, #tpu.memory_space<vmem>>, %arg2: memref<400x16xf32, #tpu.memory_space<vmem>>, %arg3: memref<400x16xf32, #tpu.memory_space<vmem>>, %arg4: memref<400x16xf32, #tpu.memory_space<vmem>>, %arg5: memref<400x16xf32, #tpu.memory_space<vmem>>) attributes {dimension_semantics = [#tpu.dimension_semantics<arbitrary>], iteration_bounds = array<i64: 25>, scalar_prefetch = 0 : i64, scratch_operands = 0 : i64, tpu.core_type = #tpu.core_type<tc>, window_params = [{transform_indices = @transform_0, window_bounds = array<i64: 400, 16>}, {transform_indices = @transform_1, window_bounds = array<i64: 400, 16>}, {transform_indices = @transform_2, window_bounds = array<i64: 400, 16>}, {transform_indices = @transform_3, window_bounds = array<i64: 400, 16>}, {transform_indices = @transform_4, window_bounds = array<i64: 400, 16>}]} {
    %get3A = arith.constant 0 : index
    %get3A_0 = arith.constant 0 : index
    %get3A_1 = vector.load %arg1[%get3A, %get3A_0] : memref<400x16xf32, #tpu.memory_space<vmem>>, vector<400x16xf32>
    %get3A_2 = arith.constant 0 : index
    %get3A_3 = arith.constant 0 : index
    %get3A_4 = vector.load %arg2[%get3A_2, %get3A_3] : memref<400x16xf32, #tpu.memory_space<vmem>>, vector<400x16xf32>
    %add3A = arith.addf %get3A_1, %get3A_4 : vector<400x16xf32>
    %get3A_5 = arith.constant 0 : index
    %get3A_6 = arith.constant 0 : index
    %get3A_7 = vector.load %arg3[%get3A_5, %get3A_6] : memref<400x16xf32, #tpu.memory_space<vmem>>, vector<400x16xf32>
    %add3A_8 = arith.addf %add3A, %get3A_7 : vector<400x16xf32>
    %add3A_9 = arith.constant 1.000000e-16 : f32
    %add3A_10 = vector.broadcast %add3A_9 : f32 to vector<400x16xf32>
    %add3A_11 = arith.addf %add3A_8, %add3A_10 : vector<400x16xf32>
    %div3A = arith.constant 1.000000e+00 : f32
    %div3A_12 = vector.broadcast %div3A : f32 to vector<400x16xf32>
    %div3A_13 = arith.divf %div3A_12, %add3A_11 : vector<400x16xf32>
    %iota3A = tpu.iota {dimensions = array<i32: 1>} : vector<400x16xi32>
    %lt3A = arith.constant 8 : i32
    %lt3A_14 = vector.broadcast %lt3A : i32 to vector<400x16xi32>
    %lt3A_15 = arith.cmpi slt, %iota3A, %lt3A_14 : vector<400x16xi32>
    %jit3A = arith.constant 0.000000e+00 : f32
    %broadcast_in_dim3A = vector.broadcast %jit3A : f32 to vector<400x16xf32>
    %select_n3A = arith.select %lt3A_15, %div3A_13, %broadcast_in_dim3A : vector<400x16xi1>, vector<400x16xf32>
    %swap3A = arith.constant 0 : index
    %swap3A_16 = arith.constant 0 : index
    %swap3A_17 = vector.load %arg4[%swap3A, %swap3A_16] : memref<400x16xf32, #tpu.memory_space<vmem>>, vector<400x16xf32>
    tpu.vector_store %arg4[%swap3A, %swap3A_16], %select_n3A {strides = array<i32>} : memref<400x16xf32, #tpu.memory_space<vmem>>, vector<400x16xf32>,
    %get3A_18 = arith.constant 0 : index
    %get3A_19 = arith.constant 0 : index
    %get3A_20 = vector.load %arg3[%get3A_18, %get3A_19] : memref<400x16xf32, #tpu.memory_space<vmem>>, vector<400x16xf32>
    %mul3A = arith.mulf %get3A_20, %select_n3A : vector<400x16xf32>
    %swap3A_21 = arith.constant 0 : index
    %swap3A_22 = arith.constant 0 : index
    %swap3A_23 = vector.load %arg5[%swap3A_21, %swap3A_22] : memref<400x16xf32, #tpu.memory_space<vmem>>, vector<400x16xf32>
    tpu.vector_store %arg5[%swap3A_21, %swap3A_22], %mul3A {strides = array<i32>} : memref<400x16xf32, #tpu.memory_space<vmem>>, vector<400x16xf32>,
    return
  }
  func.func @transform_0(%arg0: i32) -> (i32, i32) {
    %c0_i32 = arith.constant 0 : i32
    %c0_i32_0 = arith.constant 0 : i32
    return %arg0, %c0_i32 : i32, i32
  }
  func.func @transform_1(%arg0: i32) -> (i32, i32) {
    %c0_i32 = arith.constant 0 : i32
    %c0_i32_0 = arith.constant 0 : i32
    return %arg0, %c0_i32 : i32, i32
  }
  func.func @transform_2(%arg0: i32) -> (i32, i32) {
    %c0_i32 = arith.constant 0 : i32
    %c0_i32_0 = arith.constant 0 : i32
    return %arg0, %c0_i32 : i32, i32
  }
  func.func @transform_3(%arg0: i32) -> (i32, i32) {
    %c0_i32 = arith.constant 0 : i32
    %c0_i32_0 = arith.constant 0 : i32
    return %arg0, %c0_i32 : i32, i32
  }
  func.func @transform_4(%arg0: i32) -> (i32, i32) {
    %c0_i32 = arith.constant 0 : i32
    %c0_i32_0 = arith.constant 0 : i32
    return %arg0, %c0_i32 : i32, i32
  }
}

module attributes {stable_mosaic.version = 14 : i64} {
  func.func @_dense3_body(%arg0: i32, %arg1: memref<400x128xf32, #tpu.memory_space<vmem>>, %arg2: memref<400x128xf32, #tpu.memory_space<vmem>>, %arg3: memref<400x128xf32, #tpu.memory_space<vmem>>, %arg4: memref<400x16xf32, #tpu.memory_space<vmem>>, %arg5: memref<16x128xf32, #tpu.memory_space<vmem>>, %arg6: memref<1x128xf32, #tpu.memory_space<vmem>>, %arg7: memref<400x128xf32, #tpu.memory_space<vmem>>) attributes {dimension_semantics = [#tpu.dimension_semantics<arbitrary>], iteration_bounds = array<i64: 25>, scalar_prefetch = 0 : i64, scratch_operands = 0 : i64, tpu.core_type = #tpu.core_type<tc>, window_params = [{transform_indices = @transform_0, window_bounds = array<i64: 400, 128>}, {transform_indices = @transform_1, window_bounds = array<i64: 400, 128>}, {transform_indices = @transform_2, window_bounds = array<i64: 400, 128>}, {transform_indices = @transform_3, window_bounds = array<i64: 400, 16>}, {pipeline_mode = #tpu.pipeline_mode<synchronous>, transform_indices = @transform_4, window_bounds = array<i64: 16, 128>}, {pipeline_mode = #tpu.pipeline_mode<synchronous>, transform_indices = @transform_5, window_bounds = array<i64: 1, 128>}, {transform_indices = @transform_6, window_bounds = array<i64: 400, 128>}]} {
    %get3A = arith.constant 0 : index
    %get3A_0 = arith.constant 0 : index
    %get3A_1 = vector.load %arg4[%get3A, %get3A_0] : memref<400x16xf32, #tpu.memory_space<vmem>>, vector<400x16xf32>
    %get3A_2 = arith.constant 0 : index
    %get3A_3 = arith.constant 0 : index
    %get3A_4 = vector.load %arg5[%get3A_2, %get3A_3] : memref<16x128xf32, #tpu.memory_space<vmem>>, vector<16x128xf32>
    %dot_general3A = arith.constant dense<0.000000e+00> : vector<400x128xf32>
    %dot_general3A_5 = tpu.matmul %get3A_1, %get3A_4, %dot_general3A {dimension_numbers = #tpu.dot_dimension_numbers<[1], [0], [0], [1], [0, 0, 1, 1], [], []>, transpose_lhs_hint = false} : vector<400x16xf32>, vector<16x128xf32>, vector<400x128xf32> -> vector<400x128xf32>
    %get3A_6 = arith.constant 0 : index
    %get3A_7 = arith.constant 0 : index
    %get3A_8 = vector.load %arg1[%get3A_6, %get3A_7] : memref<400x128xf32, #tpu.memory_space<vmem>>, vector<400x128xf32>
    %get3A_9 = arith.constant 0 : index
    %get3A_10 = arith.constant 0 : index
    %get3A_11 = vector.load %arg2[%get3A_9, %get3A_10] : memref<400x128xf32, #tpu.memory_space<vmem>>, vector<400x128xf32>
    %add3A = arith.addf %get3A_8, %get3A_11 : vector<400x128xf32>
    %get3A_12 = arith.constant 0 : index
    %get3A_13 = arith.constant 0 : index
    %get3A_14 = vector.load %arg3[%get3A_12, %get3A_13] : memref<400x128xf32, #tpu.memory_space<vmem>>, vector<400x128xf32>
    %mul3A = arith.mulf %get3A_14, %dot_general3A_5 : vector<400x128xf32>
    %add3A_15 = arith.addf %add3A, %mul3A : vector<400x128xf32>
    %get3A_16 = arith.constant 0 : index
    %get3A_17 = arith.constant 0 : index
    %get3A_18 = vector.load %arg6[%get3A_16, %get3A_17] : memref<1x128xf32, #tpu.memory_space<vmem>>, vector<1x128xf32>
    %add3A_19 = vector.broadcast %get3A_18 : vector<1x128xf32> to vector<400x128xf32>
    %add3A_20 = arith.addf %add3A_15, %add3A_19 : vector<400x128xf32>
    %gt3A = arith.constant 0.000000e+00 : f32
    %gt3A_21 = vector.broadcast %gt3A : f32 to vector<400x128xf32>
    %gt3A_22 = arith.cmpf ogt, %add3A_20, %gt3A_21 : vector<400x128xf32>
    %min3A = arith.constant 0.000000e+00 : f32
    %min3A_23 = vector.broadcast %min3A : f32 to vector<400x128xf32>
    %min3A_24 = arith.minimumf %add3A_20, %min3A_23 : vector<400x128xf32>
    %exp3A = math.exp %min3A_24 : vector<400x128xf32>
    %sub3A = arith.constant 1.000000e+00 : f32
    %sub3A_25 = vector.broadcast %sub3A : f32 to vector<400x128xf32>
    %sub3A_26 = arith.subf %exp3A, %sub3A_25 : vector<400x128xf32>
    %select_n3A = arith.select %gt3A_22, %add3A_20, %sub3A_26 : vector<400x128xi1>, vector<400x128xf32>
    %swap3A = arith.constant 0 : index
    %swap3A_27 = arith.constant 0 : index
    %swap3A_28 = vector.load %arg7[%swap3A, %swap3A_27] : memref<400x128xf32, #tpu.memory_space<vmem>>, vector<400x128xf32>
    tpu.vector_store %arg7[%swap3A, %swap3A_27], %select_n3A {strides = array<i32>} : memref<400x128xf32, #tpu.memory_space<vmem>>, vector<400x128xf32>,
    return
  }
  func.func @transform_0(%arg0: i32) -> (i32, i32) {
    %c0_i32 = arith.constant 0 : i32
    %c0_i32_0 = arith.constant 0 : i32
    return %arg0, %c0_i32 : i32, i32
  }
  func.func @transform_1(%arg0: i32) -> (i32, i32) {
    %c0_i32 = arith.constant 0 : i32
    %c0_i32_0 = arith.constant 0 : i32
    return %arg0, %c0_i32 : i32, i32
  }
  func.func @transform_2(%arg0: i32) -> (i32, i32) {
    %c0_i32 = arith.constant 0 : i32
    %c0_i32_0 = arith.constant 0 : i32
    return %arg0, %c0_i32 : i32, i32
  }
  func.func @transform_3(%arg0: i32) -> (i32, i32) {
    %c0_i32 = arith.constant 0 : i32
    %c0_i32_0 = arith.constant 0 : i32
    return %arg0, %c0_i32 : i32, i32
  }
  func.func @transform_4(%arg0: i32) -> (i32, i32) {
    %c0_i32 = arith.constant 0 : i32
    %c0_i32_0 = arith.constant 0 : i32
    %c0_i32_1 = arith.constant 0 : i32
    return %c0_i32, %c0_i32_0 : i32, i32
  }
  func.func @transform_5(%arg0: i32) -> (i32, i32) {
    %c0_i32 = arith.constant 0 : i32
    %c0_i32_0 = arith.constant 0 : i32
    %c0_i32_1 = arith.constant 0 : i32
    return %c0_i32, %c0_i32_0 : i32, i32
  }
  func.func @transform_6(%arg0: i32) -> (i32, i32) {
    %c0_i32 = arith.constant 0 : i32
    %c0_i32_0 = arith.constant 0 : i32
    return %arg0, %c0_i32 : i32, i32
  }
}

</mosaic_0001>

<sc_bundles>
// kernel: kernel.10.cloned.1.call-start
scs
__scs_entry_jumppad:
0x0: {  	(pc) =	sbr.rel $0x88, $3  }
0x1: {  	(tag) =	ssettag $0x0;
	lr =	simm.s32 $0x1  }
0x2: {  	[smem:$0x3F9B] =	sst lr;
	_ =	strace $0xD0000000  }
0x3: {  	_ = 	snop  }
0x4: {  	_ = 	snop  }
0x5: {  	_ = 	snop  }
0x6: {  	_ = 	snop  }
0x7: {  	_ = 	snop  }
__scs_overlays_trampoline_lowered:
0x8: {  	[smem:$0x3FAA] =	sst s0  }
0x9: {  	[smem:$0x3FAB] =	sst s1  }
0xa: {  	[smem:$0x3FAC] =	sst s2  }
0xb: {  	[smem:$0x3FAD] =	sst s3  }
0xc: {  	[smem:$0x3FAE] =	sst s4  }
0xd: {  	[smem:$0x3FAF] =	sst s5  }
0xe: {  	[smem:$0x3FB0] =	sst s6  }
0xf: {  	[smem:$0x3FB1] =	sst s7  }
0x10: {  	[smem:$0x3FB2] =	sst s8  }
0x11: {  	[smem:$0x3FB3] =	sst s9;
	s0 =	simm.s32 @!p0 $0x0  }
0x12: {  	s1 =	sld [smem:$0x3F99];
	s0 =	simm.s32 @p0 $0x1  }
0x13: {  	[smem:$0x3FB4] =	sst s0;
	s0 =	simm.s32 @!p1 $0x0  }
0x14: {  	s2 =	sld [smem:$0x3F98];
	s0 =	simm.s32 @p1 $0x1  }
0x15: {  	[smem:$0x3FB5] =	sst s0;
	s0 =	simm.s32 @!p2 $0x0  }
0x16: {  	s3 =	sld [smem:$0x3FDB];
	s0 =	simm.s32 @p2 $0x1  }
0x17: {  	s4 =	simm.s32 $0x1BF5;
	[smem:$0x3FB7] =	sst s0  }
0x18: {  	s0 =	sld [smem:$0x3F9A];
	_ =	swait.ge [sflag:s4], $0x0  }
0x19: {  	s7 =	sld [smem:$0x3F9B]  }
0x1a: {  	s8 =	sadd.s32 $0xFFFFE003, lr  }
0x1b: {  	s9 =	sadd.s32 $0xFFFFFEF7, lr;
	s5 =	simm.s32 $0xFFFFFFFF;
	p2 =	slt.u32 s8, $0xFFFFF086  }
0x1c: {  	p1 =	slt.u32 s9, $0xF7A;
	s5 =	simm.s32 @!p2 $0x0  }
0x1d: {  	s5 =	simm.s32 @p1 $0x1;
	p0 =	seq.s32 s7, s2  }
0x1e: {  	s7 =	smul.u32 @!p0 $0xF7A, s2;
	p2 =	seq.s32 @!p0 s5, $0x0  }
0x1f: {  	s9 =	smul.u32 $0xF7A, s1;
	s8 =	simm.s32 @!p0 $0x1BF5;
	p2 =	por !p2, p0  }
0x20: {  	[sflag:s8] =	ssyncset.s32 @!p0 $0xFFFFF086;
	s6 =	sadd.s32 @!p0 s3, s7;
	s7 =	simm.s32 @!p0 $0x108  }
0x21: {  	s3 =	sadd.s32 s3, s9;
	s6 =	sadd.s32 @!p0 $0x88, s6;
	s7 =	simm.s32 @p2 $0x1082  }
0x22: {  	[simem:s7], [sflag:s8] =	dma.local @!p0 [hbm:s6], $0xF7A  }
0x23: {  	s9 =	sor.u32 $0xD0000000, s2;
	s6 =	simm.s32 $0x108;
	_ =	swait.ge @!p0 [sflag:s8], $0x0  }
0x24: {  	s3 =	sadd.s32 $0x88, s3;
	s6 =	simm.s32 @!p1 $0x1082;
	[sflag:s4] =	ssyncset.s32 $0xFFFFF086  }
0x25: {  	[simem:s6], [sflag:s4] =	dma.local [hbm:s3], $0xF7A  }
0x26: {  	[smem:$0x3F9B] =	sst s1;
	(tag) =	ssettag s2;
	_ =	strace s9  }
0x27: {  	s1 =	sld [smem:$0x3FAB]  }
0x28: {  	s2 =	sld [smem:$0x3FAC]  }
0x29: {  	s4 =	sld [smem:$0x3FAE]  }
0x2a: {  	p0 =	seq.s32 s5, $0x0;
	s5 =	sld [smem:$0x3FAF]  }
0x2b: {  	s6 =	sld [smem:$0x3FB0]  }
0x2c: {  	s7 =	sld [smem:$0x3FB1]  }
0x2d: {  	s3 =	simm.s32 $0x108;
	s8 =	sld [smem:$0x3FB2]  }
0x2e: {  	s3 =	simm.s32 @!p0 $0x1082;
	s9 =	sld [smem:$0x3FB3]  }
0x2f: {  	lr =	sadd.s32 s0, s3;
	s0 =	sld [smem:$0x3FAA]  }
0x30: {  	s3 =	sld [smem:$0x3FAD]  }
0x31: {  	[smem:$0x3FB6] =	sst s10  }
0x32: {  	s10 =	sld [smem:$0x3FB4];
	_ =	sdelay $0x3  }
0x33: {  	p0 =	seq.s32 s10, $0x1;
	s10 =	sld [smem:$0x3FB6];
	_ =	sdelay $0x3  }
0x34: {  	[smem:$0x3FB6] =	sst s10  }
0x35: {  	s10 =	sld [smem:$0x3FB5];
	_ =	sdelay $0x3  }
0x36: {  	p1 =	seq.s32 s10, $0x1;
	s10 =	sld [smem:$0x3FB6];
	_ =	sdelay $0x3  }
0x37: {  	[smem:$0x3FB6] =	sst s10  }
0x38: {  	s10 =	sld [smem:$0x3FB7]  }
0x39: {  	_ = 	snop;
	(pc) =	sbr.ind lr, $3  }
0x3a: {  	_ = 	snop  }
0x3b: {  	_ = 	snop  }
0x3c: {  	p2 =	seq.s32 s10, $0x1;
	s10 =	sld [smem:$0x3FB6]  }
0x3d: {  	_ =	shalt  }
0x3e: {  	_ =	shalt  }
0x3f: {  	_ =	shalt  }
0x40: {  	_ =	shalt  }
0x41: {  	_ =	shalt  }
0x42: {  	_ =	shalt  }
0x43: {  	_ =	shalt  }
0x44: {  	_ =	shalt  }
0x45: {  	_ =	shalt  }
0x46: {  	_ =	shalt  }
0x47: {  	_ =	shalt  }
0x48: {  	_ =	shalt  }
0x49: {  	_ =	shalt  }
0x4a: {  	_ =	shalt  }
0x4b: {  	_ =	shalt  }
0x4c: {  	_ =	shalt  }
0x4d: {  	_ =	shalt  }
0x4e: {  	_ =	shalt  }
0x4f: {  	_ =	shalt  }
0x50: {  	_ =	shalt  }
0x51: {  	_ =	shalt  }
0x52: {  	_ =	shalt  }
0x53: {  	_ =	shalt  }
0x54: {  	_ =	shalt  }
0x55: {  	_ =	shalt  }
0x56: {  	_ =	shalt  }
0x57: {  	_ =	shalt  }
0x58: {  	_ =	shalt  }
0x59: {  	_ =	shalt  }
0x5a: {  	_ =	shalt  }
0x5b: {  	_ =	shalt  }
0x5c: {  	_ =	shalt  }
0x5d: {  	_ =	shalt  }
0x5e: {  	_ =	shalt  }
0x5f: {  	_ =	shalt  }
0x60: {  	_ =	shalt  }
0x61: {  	_ =	shalt  }
0x62: {  	_ =	shalt  }
0x63: {  	_ =	shalt  }
0x64: {  	_ =	shalt  }
0x65: {  	_ =	shalt  }
0x66: {  	_ =	shalt  }
0x67: {  	_ =	shalt  }
0x68: {  	_ =	shalt  }
0x69: {  	_ =	shalt  }
0x6a: {  	_ =	shalt  }
0x6b: {  	_ =	shalt  }
0x6c: {  	_ =	shalt  }
0x6d: {  	_ =	shalt  }
0x6e: {  	_ =	shalt  }
0x6f: {  	_ =	shalt  }
0x70: {  	_ =	shalt  }
0x71: {  	_ =	shalt  }
0x72: {  	_ =	shalt  }
0x73: {  	_ =	shalt  }
0x74: {  	_ =	shalt  }
0x75: {  	_ =	shalt  }
0x76: {  	_ =	shalt  }
0x77: {  	_ =	shalt  }
0x78: {  	_ =	shalt  }
0x79: {  	_ =	shalt  }
0x7a: {  	_ =	shalt  }
0x7b: {  	_ =	shalt  }
0x7c: {  	_ =	shalt  }
0x7d: {  	_ =	shalt  }
0x7e: {  	_ =	shalt  }
0x7f: {  	_ =	shalt  }
0x80: {  	_ =	shalt  }
0x81: {  	_ =	shalt  }
0x82: {  	_ =	shalt  }
0x83: {  	_ =	shalt  }
0x84: {  	_ =	shalt  }
0x85: {  	_ =	shalt  }
0x86: {  	_ =	shalt  }
0x87: {  	_ =	shalt  }
.Lfunc_end0:
.L_simem_size_0:
called_computation.1_lowered:
.L_overlay_start_0:
0x88: {  	s2 =	sld [smem:$0x3FD9]  }
0x89: {  	s3 =	sld [smem:$0x3FFE];
	_ =	sdelay $0x1  }
0x8a: {  	s1 =	srdreg.scid  }
0x8b: {  	s0 =	sand.u32 $0x1, s1  }
0x8c: {  	s17 =	sshll.u32 s0, $0xA;
	s2 =	sadd.s32 s3, s2  }
0x8d: {  	s2 =	sadd.s32 s2, s17  }
0x8e: {  	[smem:$0x3FC2] =	sst s2  }
0x8f: {  	_ = 	snop  }
0x90: {  	s2 =	sld [smem:$0x3FD0];
	(tm) =	ssettm $0x1  }
0x91: {  	s18 =	sld [smem:$0x3FFB];
	_ =	sdelay $0x3  }
0x92: {  	_ =	strace s18  }
0x93: {  	s3 =	sld [smem:$0x3FFC];
	_ =	sdelay $0x3  }
0x94: {  	_ =	strace s3  }
0x95: {  	s3 =	sld [smem:$0x3FFD];
	_ =	sdelay $0x3  }
0x96: {  	_ =	strace s3  }
0x97: {  	_ =	strace $0x8FFFFFFF  }
0x98: {  	s19 =	sld [smem:$0x3FDB];
	_ =	sdelay $0x1  }
0x99: {  	s4 =	simm.s32 $_scs_section_size  }
0x9a: {  	s5 =	simm.s32 $_size__tile_overlayer_lowered;
	s6 =	simm.s32 $_tile_overlayer_lowered  }
0x9b: {  	s22 =	simm.s32 $0x1BFF;
	s21 =	sshll.u32 s6, $0x1;
	s3 =	sadd.s32 s4, s19  }
0x9c: {  	s7 =	simm.s32 $0x0;
	s20 =	sshll.u32 s5, $0x1;
	s5 =	sadd.s32 s21, s3  }
0x9d: {  	[timem:s7], [sflag:s22] =	dma.local [hbm:s5], s20  }
0x9e: {  	_ =	swait.ge [sflag:s22], s20  }
0x9f: {  	s4 =	ssub.s32 $0x0, s20;
	[sflag:s22] =	ssyncset.done $0x0  }
0xa0: {  	[sflag:s22] =	ssyncadd.s32 s4;
	_ =	sdelay $0x1  }
0xa1: {  	s23 =	simm.s32 $0x1B8B  }
0xa2: {  	_ =	swait.ge [sflag:s23], $0x1  }
0xa3: {  	[sflag:s23] =	ssyncset.done $0x0  }
0xa4: {  	s25 =	simm.s32 $0x1B8E;
	s24 =	sld [smem:$0x3FFE];
	[sflag:s23] =	ssyncadd.s32 $0xFFFFFFFF  }
0xa5: {  	s26 =	simm.s32 $execute0_lowered;
	[smem:$0x3FD2] =	sst s25  }
0xa6: {  	s5 =	sshll.u32 s26, $0x1;
	_ =	strace $0x80000049;
	[dreg:$0x1] =	wrdreg $0xFFFFFFFF  }
0xa7: {  	s28 =	simm.s32 $_size_execute0_lowered;
	s3 =	sadd.s32 s3, s5;
	[dreg:$0x0] =	wrdreg $0x0  }
0xa8: {  	s5 =	sshll.u32 s28, $0x1;
	[dreg:$0x2] =	wrdreg s3  }
0xa9: {  	[dreg:$0x3] =	wrdreg s5  }
0xaa: {  	[dreg:$0x4] =	wrdreg $0xC0  }
0xab: {  	_ =	task [dreg:s7], $0x5FFFF  }
0xac: {  	[dreg:$0x1] =	wrdreg $0xFFFFFFFF  }
0xad: {  	[dreg:$0x0] =	wrdreg $0x60  }
0xae: {  	[dreg:$0x2] =	wrdreg s24  }
0xaf: {  	[dreg:$0x3] =	wrdreg s2  }
0xb0: {  	[dreg:$0x4] =	wrdreg $0x91000  }
0xb1: {  	[dreg:$0x5] =	wrdreg $0x9  }
0xb2: {  	_ =	task.clear_ibuf [dreg:s7], $0x6FFFF;
	_ =	strace $0x90000049  }
0xb3: {  	s29 =	simm.s32 $0x9;
	_ =	strace $0x8000004B  }
0xb4: {  	_ =	swait.ge [sflag:s29], $0x1  }
0xb5: {  	[sflag:s29] =	ssyncadd.s32 $0xFFFFFFFF  }
0xb6: {  	_ =	strace $0x9000004B  }
0xb7: {  	_ =	sfence  }
0xb8: {  	s30 =	sld [smem:$0x0];
	_ =	sdelay $0x2  }
0xb9: {  	s31 =	sshll.u32 s1, $0xD;
	s1 =	sshrl.u32 s1, $0x2  }
0xba: {  	s3 =	sand.u32 $0x4000, s31;
	s1 =	sadd.s32 s1, s30  }
0xbb: {  	s0 =	sor.u32 s3, s0;
	s1 =	sshll.u32 s1, $0x11  }
0xbc: {  	s0 =	sor.u32 s1, s0  }
0xbd: {  	s0 =	sadd.s32 $0x8F2B, s0  }
0xbe: {  	[sflag:s0] =	ssyncadd.remote.s32 $0x1  }
0xbf: {  	_ =	sfence.sel $0xFFFF  }
0xc0: {  	[dreg:$0x0] =	wrdreg $0xFFFFFFFF;
	(pc) =	sbr.abs _section_cstart, $3  }
0xc1: {  	[dreg:$0x1] =	wrdreg $0xFFFFFFFF  }
0xc2: {  	_ =	task.clear_ibuf [dreg:s7], $0x2FFFF;
	_ =	strace $0x9FFFFFFF  }
0xc3: {  	(tm) =	ssettm $0x7FFFFFFF  }
tec
execute0_lowered:
.L_overlay_start_1:
0x0: {  	(tag) =	ssettag $0x1  }
0x1: {  	s9 =	rddreg [dreg:$0x0]  }
0x2: {  	s2 =	rddreg [dreg:$0x1]  }
0x3: {  	s3 =	rddreg [dreg:$0x2]  }
0x4: {  	s0 =	rddreg [dreg:$0x3];
	s4 =	simm.s32 $0x0;
	s1 =	stileid.u32  }
0x5: {  	s5 =	srdreg.scid;
	s17 =	simm.s32 $0x100;
	s18 =	simm.s32 $0x4100  }
0x6: {  	s19 =	simm.s32 $0x4900;
	s20 =	simm.s32 $0x1;
	s21 =	simm.s32 $0x2  }
0x7: {  	s22 =	simm.s32 $0x5100;
	[smem:$0x7FF] =	sst s4;
	s10 =	smul.u32 $0x13C00, s1  }
0x8: {  	s11 =	sand.u32 $0x1, s5;
	s5 =	sadd.s32 $0x15400, s9;
	s6 =	sadd.s32 $0xB600, s9  }
0x9: {  	s7 =	sadd.s32 $0xCC000, s9;
	s8 =	sadd.s32 $0x2E000, s9;
	s15 =	sshll.u32 s1, $0x1  }
0xa: {  	s31 =	sshll.u32 s1, $0x6;
	_ =	strace $0x8000004A;
	s12 =	smul.u32 $0x13C000, s11  }
0xb: {  	s14 =	ssub.s32 $0x2, s11;
	s11 =	sor.u32 s11, s15;
	s15 =	simm.s32 $0x3  }
0xc: {  	s13 =	sshrl.u32 s10, $0x3;
	s30 =	sshrl.u32 s14, $0x1;
	s16 =	sadd.s32 s10, s3  }
0xd: {  	s11 =	smul.u32 $0x2780, s11;
	s12 =	sadd.s32 s10, s12;
	s13 =	sadd.s32 s13, s9  }
0xe: {  	s14 =	ssub.s32 s14, s30;
	s10 =	sor.u32 $0x1C03, s31;
	s12 =	sshrl.u32 s12, $0x3  }
0xf: {  	s12 =	sadd.s32 s12, s9;
	s9 =	sadd.s32 $0xF3200, s13;
	s13 =	smax.u32 s14, $0x1  }
0x10: {  	s14 =	sshrl.u32 s16, $0x3;
	s16 =	simm.s32 $0x80;
	s12 =	sadd.s32 $0x11AA00, s12  }
.LBB2_1:
0x11: {  	[spmem:s14], [sflag:s10] =	dma.local [hbm:s9], $0x2780  }
0x12: {  	_ =	swait.ge [sflag:s15], $0x2780  }
0x13: {  	[sflag:s15] =	ssyncset.done $0x0  }
0x14: {  	[sflag:s15] =	ssyncadd.s32 $0xFFFFD880  }
0x15: {  	s23 =	simm.s32 $0x0;
	[bflag:$0x0] =	sbarrier.arrive $0xFFFF  }
.LBB2_2:
0x16: {  	s24 =	sshll.u32 s23, $0x7  }
0x17: {  	s24 =	sadd.s32 s11, s24  }
0x18: {  	s25 =	sshrl.u32 s24, $0x3  }
0x19: {  	s28 =	simm.s32 $0x0;
	s26 =	sadd.s32 s5, s25  }
0x1a: {  	[tilespmem:s28], [sflag:$0x3] =	stream.linear.gather [hbm4b:s26+s28], $0x80, $0x38;
	[tilespmem:$0x1CD00] =	vst v63  }
0x1b: {  	_ =	swait.ge [sflag:s15], $0x80  }
0x1c: {  	[sflag:s15] =	ssyncset.done $0x0  }
0x1d: {  	s25 =	sadd.s32 s6, s25;
	[sflag:s15] =	ssyncadd.s32 $0xFFFFFF80  }
0x1e: {  	[tilespmem:s16], [sflag:$0x3] =	stream.linear.gather [hbm4b:s25+s28], $0x80, $0x38;
	[tilespmem:$0x1CD00] =	vst v63  }
0x1f: {  	_ =	swait.ge [sflag:s15], $0x80  }
0x20: {  	[sflag:s15] =	ssyncset.done $0x0  }
0x21: {  	[sflag:s15] =	ssyncadd.s32 $0xFFFFFF80  }
0x22: {  	[tilespmem:s17], [sflag:$0x1] =	stream.indirect.gather [hbm4b:s7+s16], $0x80, s28, s16, $0xb8;
	[tilespmem:$0x1CD00] =	vst v63  }
0x23: {  	s24 =	sshll.u32 s24, $0x1  }
0x24: {  	[tilespmem:s18], [sflag:$0x2] =	stream.indirect.gather [hbm4b:s2+s16], $0x10, s16, s16, $0xb8;
	[tilespmem:$0x1CD00] =	vst v63  }
0x25: {  	s24 =	sadd.s32 s8, s24  }
0x26: {  	[tilespmem:s19], [sflag:$0x3] =	stream.linear.gather [hbm4b:s24+s28], $0x800, $0x38;
	[tilespmem:$0x1CD00] =	vst v63  }
0x27: {  	_ =	swait.ge [sflag:s15], $0x800  }
0x28: {  	[sflag:s15] =	ssyncset.done $0x0  }
0x29: {  	[sflag:s15] =	ssyncadd.s32 $0xFFFFF800  }
0x2a: {  	_ =	swait.ge [sflag:s20], $0x4000  }
0x2b: {  	[sflag:s20] =	ssyncset.done $0x0  }
0x2c: {  	[sflag:s20] =	ssyncadd.s32 $0xFFFFC000  }
0x2d: {  	_ =	swait.ge [sflag:s21], $0x800  }
0x2e: {  	[sflag:s21] =	ssyncset.done $0x0  }
0x2f: {  	s31 =	simm.s32 $0x0;
	[sflag:s21] =	ssyncadd.s32 $0xFFFFF800  }
0x30: {  	v0 =	vld [tilespmem:s31+$0x4100]  }
0x31: {  	v1 =	vld [tilespmem:s31+$0x4900];
	_ =	sdelay $0x2  }
0x32: {  	s24 =	simm.s32 $0x140  }
0x33: {  	v2 =	vld [tilespmem:s24+$0xFFFFFFC0]  }
0x34: {  	v0 =	vmul.f32 v1, v0;
	_ =	sdelay $0x1  }
0x35: {  	v1 =	vbroadcast v0, $0x0;
	_ =	sdelay $0x1  }
0x36: {  	v1 =	vmul.f32 v1, v2  }
0x37: {  	s25 =	simm.s32 $0x5140  }
0x38: {  	[tilespmem:s25+$0xFFFFFFC0] =	vst v1  }
0x39: {  	v1 =	vld [tilespmem:s24+$0xFFFFFFD0];
	_ =	sdelay $0x2  }
0x3a: {  	v2 =	vbroadcast v0, $0x1;
	_ =	sdelay $0x1  }
0x3b: {  	v1 =	vmul.f32 v1, v2;
	_ =	sdelay $0x1  }
0x3c: {  	[tilespmem:s25+$0xFFFFFFD0] =	vst v1  }
0x3d: {  	v1 =	vld [tilespmem:s24+$0xFFFFFFE0];
	_ =	sdelay $0x2  }
0x3e: {  	v2 =	vbroadcast v0, $0x2;
	_ =	sdelay $0x1  }
0x3f: {  	v1 =	vmul.f32 v1, v2;
	_ =	sdelay $0x1  }
0x40: {  	[tilespmem:s25+$0xFFFFFFE0] =	vst v1  }
0x41: {  	v1 =	vld [tilespmem:s24+$0xFFFFFFF0];
	_ =	sdelay $0x2  }
0x42: {  	v2 =	vbroadcast v0, $0x3;
	_ =	sdelay $0x1  }
0x43: {  	v1 =	vmul.f32 v1, v2;
	_ =	sdelay $0x1  }
0x44: {  	[tilespmem:s25+$0xFFFFFFF0] =	vst v1  }
0x45: {  	v1 =	vld [tilespmem:s24+$0x0];
	_ =	sdelay $0x2  }
0x46: {  	v2 =	vbroadcast v0, $0x4;
	_ =	sdelay $0x1  }
0x47: {  	v1 =	vmul.f32 v1, v2;
	_ =	sdelay $0x1  }
0x48: {  	[tilespmem:s25+$0x0] =	vst v1  }
0x49: {  	v1 =	vld [tilespmem:s24+$0x10];
	_ =	sdelay $0x2  }
0x4a: {  	v2 =	vbroadcast v0, $0x5;
	_ =	sdelay $0x1  }
0x4b: {  	v1 =	vmul.f32 v1, v2;
	_ =	sdelay $0x1  }
0x4c: {  	[tilespmem:s25+$0x10] =	vst v1  }
0x4d: {  	v1 =	vld [tilespmem:s24+$0x20];
	_ =	sdelay $0x2  }
0x4e: {  	v2 =	vbroadcast v0, $0x6;
	_ =	sdelay $0x1  }
0x4f: {  	v1 =	vmul.f32 v1, v2;
	_ =	sdelay $0x1  }
0x50: {  	[tilespmem:s25+$0x20] =	vst v1  }
0x51: {  	v1 =	vld [tilespmem:s24+$0x30];
	_ =	sdelay $0x2  }
0x52: {  	v0 =	vbroadcast v0, $0x7;
	_ =	sdelay $0x1  }
0x53: {  	s26 =	simm.s32 $0x40;
	s28 =	simm.s32 $0x5140;
	v0 =	vmul.f32 v1, v0  }
.LBB2_3:
0x54: {  	p0 =	sne.s32 s26, $0x1FC0;
	s25 =	sadd.s32 $0x80, s25;
	s24 =	sadd.s32 $0x80, s24  }
0x55: {  	s29 =	sshra.s32 s26, $0x2;
	s26 =	sadd.s32 $0x40, s26;
	[tilespmem:s28+$0x30] =	vst v0;
	s28 =	smov.u32 s25  }
0x56: {  	v0 =	vld [tilespmem:s29+$0x4100]  }
0x57: {  	v1 =	vld [tilespmem:s29+$0x4900];
	_ =	sdelay $0x2  }
0x58: {  	v2 =	vld [tilespmem:s24+$0xFFFFFFC0];
	_ =	sdelay $0x1  }
0x59: {  	v0 =	vmul.f32 v1, v0;
	_ =	sdelay $0x1  }
0x5a: {  	v1 =	vbroadcast v0, $0x0;
	_ =	sdelay $0x1  }
0x5b: {  	v1 =	vmul.f32 v1, v2;
	_ =	sdelay $0x1  }
0x5c: {  	[tilespmem:s25+$0xFFFFFFC0] =	vst v1  }
0x5d: {  	v1 =	vld [tilespmem:s24+$0xFFFFFFD0];
	_ =	sdelay $0x1  }
0x5e: {  	v2 =	vbroadcast v0, $0x1;
	_ =	sdelay $0x2  }
0x5f: {  	v1 =	vmul.f32 v1, v2;
	_ =	sdelay $0x1  }
0x60: {  	[tilespmem:s25+$0xFFFFFFD0] =	vst v1  }
0x61: {  	v1 =	vld [tilespmem:s24+$0xFFFFFFE0];
	_ =	sdelay $0x1  }
0x62: {  	v2 =	vbroadcast v0, $0x2;
	_ =	sdelay $0x2  }
0x63: {  	v1 =	vmul.f32 v1, v2;
	_ =	sdelay $0x1  }
0x64: {  	[tilespmem:s25+$0xFFFFFFE0] =	vst v1  }
0x65: {  	v1 =	vld [tilespmem:s24+$0xFFFFFFF0];
	_ =	sdelay $0x1  }
0x66: {  	v2 =	vbroadcast v0, $0x3;
	_ =	sdelay $0x2  }
0x67: {  	v1 =	vmul.f32 v1, v2;
	_ =	sdelay $0x1  }
0x68: {  	[tilespmem:s25+$0xFFFFFFF0] =	vst v1  }
0x69: {  	v1 =	vld [tilespmem:s24+$0x0];
	_ =	sdelay $0x1  }
0x6a: {  	v2 =	vbroadcast v0, $0x4;
	_ =	sdelay $0x2  }
0x6b: {  	v1 =	vmul.f32 v1, v2;
	_ =	sdelay $0x1  }
0x6c: {  	[tilespmem:s25+$0x0] =	vst v1  }
0x6d: {  	v1 =	vld [tilespmem:s24+$0x10];
	_ =	sdelay $0x1  }
0x6e: {  	v2 =	vbroadcast v0, $0x5;
	_ =	sdelay $0x2  }
0x6f: {  	v1 =	vmul.f32 v1, v2;
	_ =	sdelay $0x1  }
0x70: {  	[tilespmem:s25+$0x10] =	vst v1  }
0x71: {  	v1 =	vld [tilespmem:s24+$0x20];
	_ =	sdelay $0x1  }
0x72: {  	v2 =	vbroadcast v0, $0x6;
	_ =	sdelay $0x2  }
0x73: {  	v1 =	vmul.f32 v1, v2;
	_ =	sdelay $0x1  }
0x74: {  	[tilespmem:s25+$0x20] =	vst v1  }
0x75: {  	v1 =	vld [tilespmem:s24+$0x30]  }
.Ltmp0:
0x76: {  	(pc) =	sbr.rel @p0 .LBB2_3-.Ltmp0, $2  }
0x77: {  	v0 =	vbroadcast v0, $0x7;
	_ =	sdelay $0x2  }
0x78: {  	v0 =	vmul.f32 v1, v0  }
0x79: {  	s23 =	sadd.s32 $0x1, s23  }
0x7a: {  	p0 =	sne.s32 s23, $0x4F  }
.Ltmp1:
0x7b: {  	[tilespmem:s28+$0x30] =	vst v0;
	(pc) =	sbr.rel @p0 .LBB2_2-.Ltmp1, $4  }
0x7c: {  	[spmem:s3] =	stream.indirect.scatter.add.f32 [tilespmem:s22], [sflag:$0x3], $0x80, s16, s16, $0xb8;
	[tilespmem:$0x1CD00] =	vst v63  }
0x7d: {  	_ =	swait.ge [sflag:s15], $0x4000  }
0x7e: {  	[sflag:s15] =	ssyncset.done $0x0  }
0x7f: {  	[sflag:s15] =	ssyncadd.s32 $0xFFFFC000  }
0x80: {  	s4 =	sadd.s32 $0x1, s4  }
0x81: {  	p0 =	sne.s32 s4, s13  }
.Ltmp2:
0x82: {  	[bflag:$0x0] =	sbarrier.arrive $0xFFFF;
	(pc) =	sbr.rel @p0 .LBB2_1-.Ltmp2, $4  }
0x83: {  	[hbm:s12], [sflag:s10] =	dma.local [spmem:s14], $0x2780  }
0x84: {  	_ =	swait.ge [sflag:s15], $0x2780  }
0x85: {  	[sflag:s15] =	ssyncset.done $0x0  }
0x86: {  	[sflag:s15] =	ssyncadd.s32 $0xFFFFD880  }
0x87: {  	_ =	sfence.sel $0x180000  }
0x88: {  	[bflag:$0x0] =	sbarrier.arrive $0xFFFF  }
0x89: {  	p0 =	sne.s32 s1, $0x0;
	_ =	strace $0x9000004A  }
0x8a: {  	s0 =	sadd.s32 @!p0 $0x100000, s0;
	[bflag:$0x2] =	sbarrier.arrive $0xFFFF  }
0x8b: {  	[sflag:s0] =	ssyncadd.tile.s32 @!p0 $0x1;
	_ =	shalt  }
.Lfunc_end2:
_tile_overlayer_lowered:
.L_overlay_start_2:
0x8c: {  	(tag) =	ssettag $0x2  }
0x8d: {  	s0 =	rddreg [dreg:$0x0];
	s2 =	stileid.u32  }
0x8e: {  	s1 =	rddreg [dreg:$0x1];
	p0 =	sne.s32 s2, $0x0  }
0x8f: {  	s3 =	rddreg [dreg:$0x2];
	[bflag:$0x3] =	sbarrier.arrive $0xFFFF;
	s2 =	simm.s32 @!p0 $0x1C03  }
0x90: {  	[timem:s3], [sflag:s2] =	dma.local @!p0 [hbm:s0], s1  }
0x91: {  	s0 =	simm.s32 @!p0 $0x3  }
0x92: {  	_ =	swait.ge @!p0 [sflag:s0], s1  }
0x93: {  	s1 =	ssub.s32 @!p0 $0x0, s1;
	[sflag:s0] =	ssyncset.done @!p0 $0x0  }
0x94: {  	[sflag:s0] =	ssyncadd.s32 @!p0 s1  }
0x95: {  	[bflag:$0x3] =	sbarrier.arrive $0xFFFF  }
0x96: {  	_ =	shalt  }

// kernel: kernel.7.cloned.1.call-start
scs
__scs_entry_jumppad:
0x0: {  	(pc) =	sbr.rel $0x88, $3  }
0x1: {  	(tag) =	ssettag $0x0;
	lr =	simm.s32 $0x1  }
0x2: {  	[smem:$0x3F9B] =	sst lr;
	_ =	strace $0xD0000000  }
0x3: {  	_ = 	snop  }
0x4: {  	_ = 	snop  }
0x5: {  	_ = 	snop  }
0x6: {  	_ = 	snop  }
0x7: {  	_ = 	snop  }
__scs_overlays_trampoline_lowered:
0x8: {  	[smem:$0x3FAA] =	sst s0  }
0x9: {  	[smem:$0x3FAB] =	sst s1  }
0xa: {  	[smem:$0x3FAC] =	sst s2  }
0xb: {  	[smem:$0x3FAD] =	sst s3  }
0xc: {  	[smem:$0x3FAE] =	sst s4  }
0xd: {  	[smem:$0x3FAF] =	sst s5  }
0xe: {  	[smem:$0x3FB0] =	sst s6  }
0xf: {  	[smem:$0x3FB1] =	sst s7  }
0x10: {  	[smem:$0x3FB2] =	sst s8  }
0x11: {  	[smem:$0x3FB3] =	sst s9;
	s0 =	simm.s32 @!p0 $0x0  }
0x12: {  	s1 =	sld [smem:$0x3F99];
	s0 =	simm.s32 @p0 $0x1  }
0x13: {  	[smem:$0x3FB4] =	sst s0;
	s0 =	simm.s32 @!p1 $0x0  }
0x14: {  	s2 =	sld [smem:$0x3F98];
	s0 =	simm.s32 @p1 $0x1  }
0x15: {  	[smem:$0x3FB5] =	sst s0;
	s0 =	simm.s32 @!p2 $0x0  }
0x16: {  	s3 =	sld [smem:$0x3FDB];
	s0 =	simm.s32 @p2 $0x1  }
0x17: {  	s4 =	simm.s32 $0x1BF5;
	[smem:$0x3FB7] =	sst s0  }
0x18: {  	s0 =	sld [smem:$0x3F9A];
	_ =	swait.ge [sflag:s4], $0x0  }
0x19: {  	s7 =	sld [smem:$0x3F9B]  }
0x1a: {  	s8 =	sadd.s32 $0xFFFFE003, lr  }
0x1b: {  	s9 =	sadd.s32 $0xFFFFFEF7, lr;
	s5 =	simm.s32 $0xFFFFFFFF;
	p2 =	slt.u32 s8, $0xFFFFF086  }
0x1c: {  	p1 =	slt.u32 s9, $0xF7A;
	s5 =	simm.s32 @!p2 $0x0  }
0x1d: {  	s5 =	simm.s32 @p1 $0x1;
	p0 =	seq.s32 s7, s2  }
0x1e: {  	s7 =	smul.u32 @!p0 $0xF7A, s2;
	p2 =	seq.s32 @!p0 s5, $0x0  }
0x1f: {  	s9 =	smul.u32 $0xF7A, s1;
	s8 =	simm.s32 @!p0 $0x1BF5;
	p2 =	por !p2, p0  }
0x20: {  	[sflag:s8] =	ssyncset.s32 @!p0 $0xFFFFF086;
	s6 =	sadd.s32 @!p0 s3, s7;
	s7 =	simm.s32 @!p0 $0x108  }
0x21: {  	s3 =	sadd.s32 s3, s9;
	s6 =	sadd.s32 @!p0 $0x88, s6;
	s7 =	simm.s32 @p2 $0x1082  }
0x22: {  	[simem:s7], [sflag:s8] =	dma.local @!p0 [hbm:s6], $0xF7A  }
0x23: {  	s9 =	sor.u32 $0xD0000000, s2;
	s6 =	simm.s32 $0x108;
	_ =	swait.ge @!p0 [sflag:s8], $0x0  }
0x24: {  	s3 =	sadd.s32 $0x88, s3;
	s6 =	simm.s32 @!p1 $0x1082;
	[sflag:s4] =	ssyncset.s32 $0xFFFFF086  }
0x25: {  	[simem:s6], [sflag:s4] =	dma.local [hbm:s3], $0xF7A  }
0x26: {  	[smem:$0x3F9B] =	sst s1;
	(tag) =	ssettag s2;
	_ =	strace s9  }
0x27: {  	s1 =	sld [smem:$0x3FAB]  }
0x28: {  	s2 =	sld [smem:$0x3FAC]  }
0x29: {  	s4 =	sld [smem:$0x3FAE]  }
0x2a: {  	p0 =	seq.s32 s5, $0x0;
	s5 =	sld [smem:$0x3FAF]  }
0x2b: {  	s6 =	sld [smem:$0x3FB0]  }
0x2c: {  	s7 =	sld [smem:$0x3FB1]  }
0x2d: {  	s3 =	simm.s32 $0x108;
	s8 =	sld [smem:$0x3FB2]  }
0x2e: {  	s3 =	simm.s32 @!p0 $0x1082;
	s9 =	sld [smem:$0x3FB3]  }
0x2f: {  	lr =	sadd.s32 s0, s3;
	s0 =	sld [smem:$0x3FAA]  }
0x30: {  	s3 =	sld [smem:$0x3FAD]  }
0x31: {  	[smem:$0x3FB6] =	sst s10  }
0x32: {  	s10 =	sld [smem:$0x3FB4];
	_ =	sdelay $0x3  }
0x33: {  	p0 =	seq.s32 s10, $0x1;
	s10 =	sld [smem:$0x3FB6];
	_ =	sdelay $0x3  }
0x34: {  	[smem:$0x3FB6] =	sst s10  }
0x35: {  	s10 =	sld [smem:$0x3FB5];
	_ =	sdelay $0x3  }
0x36: {  	p1 =	seq.s32 s10, $0x1;
	s10 =	sld [smem:$0x3FB6];
	_ =	sdelay $0x3  }
0x37: {  	[smem:$0x3FB6] =	sst s10  }
0x38: {  	s10 =	sld [smem:$0x3FB7]  }
0x39: {  	_ = 	snop;
	(pc) =	sbr.ind lr, $3  }
0x3a: {  	_ = 	snop  }
0x3b: {  	_ = 	snop  }
0x3c: {  	p2 =	seq.s32 s10, $0x1;
	s10 =	sld [smem:$0x3FB6]  }
0x3d: {  	_ =	shalt  }
0x3e: {  	_ =	shalt  }
0x3f: {  	_ =	shalt  }
0x40: {  	_ =	shalt  }
0x41: {  	_ =	shalt  }
0x42: {  	_ =	shalt  }
0x43: {  	_ =	shalt  }
0x44: {  	_ =	shalt  }
0x45: {  	_ =	shalt  }
0x46: {  	_ =	shalt  }
0x47: {  	_ =	shalt  }
0x48: {  	_ =	shalt  }
0x49: {  	_ =	shalt  }
0x4a: {  	_ =	shalt  }
0x4b: {  	_ =	shalt  }
0x4c: {  	_ =	shalt  }
0x4d: {  	_ =	shalt  }
0x4e: {  	_ =	shalt  }
0x4f: {  	_ =	shalt  }
0x50: {  	_ =	shalt  }
0x51: {  	_ =	shalt  }
0x52: {  	_ =	shalt  }
0x53: {  	_ =	shalt  }
0x54: {  	_ =	shalt  }
0x55: {  	_ =	shalt  }
0x56: {  	_ =	shalt  }
0x57: {  	_ =	shalt  }
0x58: {  	_ =	shalt  }
0x59: {  	_ =	shalt  }
0x5a: {  	_ =	shalt  }
0x5b: {  	_ =	shalt  }
0x5c: {  	_ =	shalt  }
0x5d: {  	_ =	shalt  }
0x5e: {  	_ =	shalt  }
0x5f: {  	_ =	shalt  }
0x60: {  	_ =	shalt  }
0x61: {  	_ =	shalt  }
0x62: {  	_ =	shalt  }
0x63: {  	_ =	shalt  }
0x64: {  	_ =	shalt  }
0x65: {  	_ =	shalt  }
0x66: {  	_ =	shalt  }
0x67: {  	_ =	shalt  }
0x68: {  	_ =	shalt  }
0x69: {  	_ =	shalt  }
0x6a: {  	_ =	shalt  }
0x6b: {  	_ =	shalt  }
0x6c: {  	_ =	shalt  }
0x6d: {  	_ =	shalt  }
0x6e: {  	_ =	shalt  }
0x6f: {  	_ =	shalt  }
0x70: {  	_ =	shalt  }
0x71: {  	_ =	shalt  }
0x72: {  	_ =	shalt  }
0x73: {  	_ =	shalt  }
0x74: {  	_ =	shalt  }
0x75: {  	_ =	shalt  }
0x76: {  	_ =	shalt  }
0x77: {  	_ =	shalt  }
0x78: {  	_ =	shalt  }
0x79: {  	_ =	shalt  }
0x7a: {  	_ =	shalt  }
0x7b: {  	_ =	shalt  }
0x7c: {  	_ =	shalt  }
0x7d: {  	_ =	shalt  }
0x7e: {  	_ =	shalt  }
0x7f: {  	_ =	shalt  }
0x80: {  	_ =	shalt  }
0x81: {  	_ =	shalt  }
0x82: {  	_ =	shalt  }
0x83: {  	_ =	shalt  }
0x84: {  	_ =	shalt  }
0x85: {  	_ =	shalt  }
0x86: {  	_ =	shalt  }
0x87: {  	_ =	shalt  }
.Lfunc_end0:
.L_simem_size_0:
called_computation_lowered:
.L_overlay_start_0:
0x88: {  	s2 =	sld [smem:$0x3FD9]  }
0x89: {  	s3 =	sld [smem:$0x3FFE];
	_ =	sdelay $0x1  }
0x8a: {  	s1 =	srdreg.scid  }
0x8b: {  	s0 =	sand.u32 $0x1, s1  }
0x8c: {  	s16 =	sshll.u32 s0, $0xA;
	s2 =	sadd.s32 s3, s2  }
0x8d: {  	s2 =	sadd.s32 s2, s16  }
0x8e: {  	[smem:$0x3FC2] =	sst s2  }
0x8f: {  	_ = 	snop  }
0x90: {  	(tm) =	ssettm $0x1  }
0x91: {  	s17 =	sld [smem:$0x3FFB];
	_ =	sdelay $0x3  }
0x92: {  	_ =	strace s17  }
0x93: {  	s2 =	sld [smem:$0x3FFC];
	_ =	sdelay $0x3  }
0x94: {  	_ =	strace s2  }
0x95: {  	s2 =	sld [smem:$0x3FFD];
	_ =	sdelay $0x3  }
0x96: {  	_ =	strace s2  }
0x97: {  	_ =	strace $0x8FFFFFFF  }
0x98: {  	s18 =	sld [smem:$0x3FDB];
	_ =	sdelay $0x1  }
0x99: {  	s19 =	simm.s32 $_scs_section_size  }
0x9a: {  	s4 =	simm.s32 $_size__tile_overlayer_lowered;
	s5 =	simm.s32 $_tile_overlayer_lowered  }
0x9b: {  	s22 =	simm.s32 $0x1BFF;
	s21 =	sshll.u32 s5, $0x1;
	s2 =	sadd.s32 s19, s18  }
0x9c: {  	s6 =	simm.s32 $0x0;
	s20 =	sshll.u32 s4, $0x1;
	s4 =	sadd.s32 s21, s2  }
0x9d: {  	[timem:s6], [sflag:s22] =	dma.local [hbm:s4], s20  }
0x9e: {  	_ =	swait.ge [sflag:s22], s20  }
0x9f: {  	s3 =	ssub.s32 $0x0, s20;
	[sflag:s22] =	ssyncset.done $0x0  }
0xa0: {  	[sflag:s22] =	ssyncadd.s32 s3;
	_ =	sdelay $0x1  }
0xa1: {  	s23 =	simm.s32 $0x1B8B  }
0xa2: {  	_ =	swait.ge [sflag:s23], $0x1  }
0xa3: {  	[sflag:s23] =	ssyncset.done $0x0  }
0xa4: {  	s25 =	simm.s32 $0x1B8E;
	s24 =	sld [smem:$0x3FFE];
	[sflag:s23] =	ssyncadd.s32 $0xFFFFFFFF  }
0xa5: {  	s26 =	simm.s32 $execute0_lowered;
	[smem:$0x3FD2] =	sst s25  }
0xa6: {  	s4 =	sshll.u32 s26, $0x1;
	_ =	strace $0x80000046;
	[dreg:$0x1] =	wrdreg $0xFFFFFFFF  }
0xa7: {  	s28 =	simm.s32 $_size_execute0_lowered;
	s2 =	sadd.s32 s2, s4;
	[dreg:$0x0] =	wrdreg $0x0  }
0xa8: {  	s4 =	sshll.u32 s28, $0x1;
	[dreg:$0x2] =	wrdreg s2  }
0xa9: {  	[dreg:$0x3] =	wrdreg s4  }
0xaa: {  	[dreg:$0x4] =	wrdreg $0xC0  }
0xab: {  	_ =	task [dreg:s6], $0x5FFFF  }
0xac: {  	[dreg:$0x1] =	wrdreg $0xFFFFFFFF  }
0xad: {  	[dreg:$0x0] =	wrdreg $0x60  }
0xae: {  	[dreg:$0x2] =	wrdreg s24  }
0xaf: {  	[dreg:$0x3] =	wrdreg $0x19000  }
0xb0: {  	[dreg:$0x4] =	wrdreg $0x9  }
0xb1: {  	_ =	task.clear_ibuf [dreg:s6], $0x5FFFF;
	_ =	strace $0x90000046  }
0xb2: {  	s29 =	simm.s32 $0x9;
	_ =	strace $0x80000048  }
0xb3: {  	_ =	swait.ge [sflag:s29], $0x1  }
0xb4: {  	[sflag:s29] =	ssyncadd.s32 $0xFFFFFFFF  }
0xb5: {  	_ =	strace $0x90000048  }
0xb6: {  	_ =	sfence  }
0xb7: {  	s30 =	sld [smem:$0x0];
	_ =	sdelay $0x2  }
0xb8: {  	s31 =	sshll.u32 s1, $0xD;
	s1 =	sshrl.u32 s1, $0x2  }
0xb9: {  	s3 =	sand.u32 $0x4000, s31;
	s1 =	sadd.s32 s1, s30  }
0xba: {  	s0 =	sor.u32 s3, s0;
	s1 =	sshll.u32 s1, $0x11  }
0xbb: {  	s0 =	sor.u32 s1, s0  }
0xbc: {  	s0 =	sadd.s32 $0x8F2B, s0  }
0xbd: {  	[sflag:s0] =	ssyncadd.remote.s32 $0x1  }
0xbe: {  	_ =	sfence.sel $0xFFFF  }
0xbf: {  	[dreg:$0x0] =	wrdreg $0xFFFFFFFF;
	(pc) =	sbr.abs _section_cstart, $3  }
0xc0: {  	[dreg:$0x1] =	wrdreg $0xFFFFFFFF  }
0xc1: {  	_ =	task.clear_ibuf [dreg:s6], $0x2FFFF;
	_ =	strace $0x9FFFFFFF  }
0xc2: {  	(tm) =	ssettm $0x7FFFFFFF  }
0xc3: {  	_ =	shalt  }
tec
execute0_lowered:
.L_overlay_start_1:
0x0: {  	(tag) =	ssettag $0x1  }
0x1: {  	s9 =	rddreg [dreg:$0x0]  }
0x2: {  	s2 =	rddreg [dreg:$0x1]  }
0x3: {  	s0 =	rddreg [dreg:$0x2]  }
0x4: {  	s3 =	simm.s32 $0x0;
	s1 =	stileid.u32;
	s4 =	srdreg.scid  }
0x5: {  	s17 =	simm.s32 $0x100;
	s18 =	simm.s32 $0x900;
	s19 =	simm.s32 $0x1  }
0x6: {  	s20 =	simm.s32 $0x2;
	s21 =	simm.s32 $0x1100;
	s22 =	simm.s32 $0x0  }
0x7: {  	[smem:$0x7FF] =	sst s3;
	s10 =	smul.u32 $0x2780, s1;
	s11 =	sand.u32 $0x1, s4  }
0x8: {  	s4 =	sadd.s32 $0x15400, s9;
	s5 =	sadd.s32 $0xB600, s9;
	s6 =	sadd.s32 $0x6600, s9  }
0x9: {  	s7 =	sadd.s32 $0x1600, s9;
	s15 =	sshll.u32 s1, $0x1;
	s31 =	sshll.u32 s1, $0x6  }
0xa: {  	_ =	strace $0x80000047;
	s8 =	smul.u32 $0x27800, s11;
	s14 =	ssub.s32 $0x2, s11  }
0xb: {  	s11 =	sor.u32 s11, s15;
	s15 =	simm.s32 $0x3;
	s12 =	sshrl.u32 s10, $0x3  }
0xc: {  	s30 =	sshrl.u32 s14, $0x1;
	s16 =	sadd.s32 s10, s2;
	s13 =	sadd.s32 s10, s8  }
0xd: {  	s11 =	smul.u32 $0x2780, s11;
	s12 =	sadd.s32 s12, s9;
	s13 =	sshrl.u32 s13, $0x3  }
0xe: {  	s8 =	sadd.s32 $0x2E000, s9;
	s14 =	ssub.s32 s14, s30;
	s13 =	sadd.s32 s13, s9  }
0xf: {  	s10 =	sor.u32 $0x1C03, s31;
	s9 =	sadd.s32 $0x1F200, s12;
	s12 =	sadd.s32 $0x24200, s13  }
0x10: {  	s13 =	smax.u32 s14, $0x1;
	s14 =	sshrl.u32 s16, $0x3;
	s16 =	simm.s32 $0x80  }
.LBB2_1:
0x11: {  	[spmem:s14], [sflag:s10] =	dma.local [hbm:s9], $0x4F0  }
0x12: {  	_ =	swait.ge [sflag:s15], $0x4F0  }
0x13: {  	[sflag:s15] =	ssyncset.done $0x0  }
0x14: {  	[sflag:s15] =	ssyncadd.s32 $0xFFFFFB10  }
0x15: {  	s23 =	simm.s32 $0x0;
	[bflag:$0x0] =	sbarrier.arrive $0xFFFF  }
.LBB2_2:
0x16: {  	s24 =	sshll.u32 s23, $0x7  }
0x17: {  	s24 =	sadd.s32 s11, s24  }
0x18: {  	s25 =	sshrl.u32 s24, $0x3  }
0x19: {  	s28 =	simm.s32 $0x0;
	s26 =	sadd.s32 s4, s25  }
0x1a: {  	[tilespmem:s28], [sflag:$0x3] =	stream.linear.gather [hbm4b:s26+s28], $0x80, $0x38;
	[tilespmem:$0x4080] =	vst v63  }
0x1b: {  	_ =	swait.ge [sflag:s15], $0x80  }
0x1c: {  	[sflag:s15] =	ssyncset.done $0x0  }
0x1d: {  	s25 =	sadd.s32 s5, s25;
	[sflag:s15] =	ssyncadd.s32 $0xFFFFFF80  }
0x1e: {  	[tilespmem:s16], [sflag:$0x3] =	stream.linear.gather [hbm4b:s25+s28], $0x80, $0x38;
	[tilespmem:$0x4080] =	vst v63  }
0x1f: {  	_ =	swait.ge [sflag:s15], $0x80  }
0x20: {  	[sflag:s15] =	ssyncset.done $0x0  }
0x21: {  	[sflag:s15] =	ssyncadd.s32 $0xFFFFFF80  }
0x22: {  	[tilespmem:s17], [sflag:$0x1] =	stream.indirect.gather [hbm4b:s6+s16], $0x10, s28, s16, $0xb8;
	[tilespmem:$0x4080] =	vst v63  }
0x23: {  	_ = 	snop  }
0x24: {  	[tilespmem:s18], [sflag:$0x2] =	stream.indirect.gather [hbm4b:s7+s16], $0x10, s16, s16, $0xb8;
	[tilespmem:$0x4080] =	vst v63  }
0x25: {  	_ =	swait.ge [sflag:s19], $0x800  }
0x26: {  	[sflag:s19] =	ssyncset.done $0x0  }
0x27: {  	[sflag:s19] =	ssyncadd.s32 $0xFFFFF800  }
0x28: {  	_ =	swait.ge [sflag:s20], $0x800  }
0x29: {  	[sflag:s20] =	ssyncset.done $0x0  }
0x2a: {  	s25 =	simm.s32 $0x0;
	[sflag:s20] =	ssyncadd.s32 $0xFFFFF800  }
0x2b: {  	v0 =	vld [tilespmem:s25+$0x100]  }
0x2c: {  	v1 =	vld [tilespmem:s25+$0x900];
	_ =	sdelay $0x1  }
0x2d: {  	s26 =	simm.s32 $0x10  }
0x2e: {  	v2 =	vld [tilespmem:s26+$0x100]  }
0x2f: {  	v3 =	vld [tilespmem:s26+$0x900]  }
0x30: {  	v0 =	vadd.f32 v1, v0;
	_ =	sdelay $0x1  }
0x31: {  	v0 =	vmin.f32 v0, $6.000000000e+01  }
0x32: {  	s28 =	simm.s32 $0x20;
	v4 =	vmul.f32 $2.000000030e-01, v0  }
0x33: {  	v1 =	vld [tilespmem:s28+$0x100];
	v2 =	vadd.f32 v3, v2  }
0x34: {  	v3 =	vld [tilespmem:s28+$0x900];
	v0 =	vmax.f32 v0, v4  }
0x35: {  	v2 =	vmin.f32 v2, $6.000000000e+01;
	v0 =	vmul.f32 $1.442695020e+00, v0  }
0x36: {  	v5 =	vmul.f32 $2.000000030e-01, v2  }
0x37: {  	(erf) = vpow2.f32 v0  }
0x38: {  	v2 =	vmax.f32 v2, v5  }
0x39: {  	v1 =	vadd.f32 v3, v1;
	v3 =	vmul.f32 $1.442695020e+00, v2  }
0x3a: {  	s29 =	simm.s32 $0x30  }
0x3b: {  	v2 =	vmin.f32 v1, $6.000000000e+01;
	v1 =	vld [tilespmem:s29+$0x900];
	(erf) = vpow2.f32 v3  }
0x3c: {  	v0 =	vld [tilespmem:s29+$0x100];
	_ =	sdelay $0x1  }
0x3d: {  	s30 =	simm.s32 $0x100;
	v3 =	vmul.f32 $2.000000030e-01, v2  }
.LBB2_3:
0x3e: {  	p0 =	sne.s32 s30, $0x1FC0  }
.Ltmp0:
0x3f: {  	s31 =	sshra.s32 s30, $0x2;
	v2 =	vmax.f32 v2, v3;
	v3 =	vpop (erf);
	(pc) =	sbr.rel @p0 .LBB2_3-.Ltmp0, $4  }
0x40: {  	s30 =	sadd.s32 $0x40, s30;
	v4 =	vadd.f32 v1, v0;
	v0 =	vld [tilespmem:s31+$0x100];
	v5 =	vmul.f32 $1.442695020e+00, v2;
	[tilespmem:s25+$0x1100] =	vst v3  }
0x41: {  	s25 =	smov.u32 s26;
	s26 =	smov.u32 s28;
	s28 =	smov.u32 s29;
	v1 =	vld [tilespmem:s31+$0x900]  }
0x42: {  	s29 =	smov.u32 s31;
	v2 =	vmin.f32 v4, $6.000000000e+01;
	(erf) = vpow2.f32 v5  }
0x43: {  	v3 =	vmul.f32 $2.000000030e-01, v2  }
0x44: {  	_ =	sdelay $0x1  }
0x45: {  	v0 =	vadd.f32 v1, v0;
	_ =	sdelay $0x1  }
0x46: {  	v0 =	vmin.f32 v0, $6.000000000e+01  }
0x47: {  	v59 =	vmul.f32 $2.000000030e-01, v0  }
0x48: {  	v2 =	vmax.f32 v2, v3  }
0x49: {  	v2 =	vmul.f32 $1.442695020e+00, v2;
	v0 =	vmax.f32 v0, v59  }
0x4a: {  	v0 =	vmul.f32 $1.442695020e+00, v0  }
0x4b: {  	(erf) = vpow2.f32 v2  }
0x4c: {  	(erf) = vpow2.f32 v0;
	_ =	sdelay $0x5  }
0x4d: {  	v60 =	vpop (erf)  }
0x4e: {  	[tilespmem:s25+$0x1100] =	vst v60;
	v61 =	vpop (erf)  }
0x4f: {  	[tilespmem:s26+$0x1100] =	vst v61;
	v62 =	vpop (erf)  }
0x50: {  	s24 =	sshll.u32 s24, $0x1;
	[tilespmem:s28+$0x1100] =	vst v62;
	v63 =	vpop (erf)  }
0x51: {  	s24 =	sadd.s32 s8, s24;
	[tilespmem:s29+$0x1100] =	vst v63  }
0x52: {  	[hbm4b:s24+s3] =	stream.linear.scatter [tilespmem:s21], [sflag:$0x3], $0x800, $0x38;
	[tilespmem:$0x4080] =	vst v63  }
0x53: {  	s23 =	sadd.s32 $0x1, s23;
	_ =	swait.ge [sflag:s15], $0x800  }
0x54: {  	p0 =	sne.s32 s23, $0x4F;
	[sflag:s15] =	ssyncset.done $0x0  }
.Ltmp1:
0x55: {  	[sflag:s15] =	ssyncadd.s32 $0xFFFFF800;
	(pc) =	sbr.rel @p0 .LBB2_2-.Ltmp1, $4  }
0x56: {  	[spmem:s2] =	stream.indirect.scatter.add.f32 [tilespmem:s21], [sflag:$0x3], $0x10, s16, s16, $0xb8;
	[tilespmem:$0x4080] =	vst v63  }
0x57: {  	_ =	swait.ge [sflag:s15], $0x800  }
0x58: {  	[sflag:s15] =	ssyncset.done $0x0  }
0x59: {  	[sflag:s15] =	ssyncadd.s32 $0xFFFFF800  }
0x5a: {  	s22 =	sadd.s32 $0x1, s22  }
0x5b: {  	p0 =	sne.s32 s22, s13  }
.Ltmp2:
0x5c: {  	[bflag:$0x0] =	sbarrier.arrive $0xFFFF;
	(pc) =	sbr.rel @p0 .LBB2_1-.Ltmp2, $4  }
0x5d: {  	[hbm:s12], [sflag:s10] =	dma.local [spmem:s14], $0x4F0  }
0x5e: {  	_ =	swait.ge [sflag:s15], $0x4F0  }
0x5f: {  	[sflag:s15] =	ssyncset.done $0x0  }
0x60: {  	[sflag:s15] =	ssyncadd.s32 $0xFFFFFB10  }
0x61: {  	_ =	sfence.sel $0x180000  }
0x62: {  	[bflag:$0x0] =	sbarrier.arrive $0xFFFF  }
0x63: {  	p0 =	sne.s32 s1, $0x0;
	_ =	strace $0x90000047  }
0x64: {  	s0 =	sadd.s32 @!p0 $0x100000, s0;
	[bflag:$0x2] =	sbarrier.arrive $0xFFFF  }
0x65: {  	[sflag:s0] =	ssyncadd.tile.s32 @!p0 $0x1;
	_ =	shalt  }
.Lfunc_end2:
_tile_overlayer_lowered:
.L_overlay_start_2:
0x66: {  	(tag) =	ssettag $0x2  }
0x67: {  	s0 =	rddreg [dreg:$0x0];
	s2 =	stileid.u32  }
0x68: {  	s1 =	rddreg [dreg:$0x1];
	p0 =	sne.s32 s2, $0x0  }
0x69: {  	s3 =	rddreg [dreg:$0x2];
	[bflag:$0x3] =	sbarrier.arrive $0xFFFF;
	s2 =	simm.s32 @!p0 $0x1C03  }
0x6a: {  	[timem:s3], [sflag:s2] =	dma.local @!p0 [hbm:s0], s1  }
0x6b: {  	s0 =	simm.s32 @!p0 $0x3  }
0x6c: {  	_ =	swait.ge @!p0 [sflag:s0], s1  }
0x6d: {  	s1 =	ssub.s32 @!p0 $0x0, s1;
	[sflag:s0] =	ssyncset.done @!p0 $0x0  }
0x6e: {  	[sflag:s0] =	ssyncadd.s32 @!p0 s1  }
0x6f: {  	[bflag:$0x3] =	sbarrier.arrive $0xFFFF  }
0x70: {  	_ =	shalt  }

</sc_bundles>
